<compile_context>
chip_gen: v7x
topology: tpu7x:2x2x1
jax: 0.10.2.dev20260603
libtpu: 0.0.44.dev20260713+nightly
codegen_flags: <defaults>
</compile_context>

<pallas_src>
import functools

import jax
import jax.numpy as jnp
from jax import lax
from jax.experimental import pallas as pl
from jax.experimental.pallas import tpu as pltpu
from jax.experimental.pallas import tpu_sc as plsc

_NUM_CORES = 2
_NUM_SUBCORES = 16
_NUM_WORKERS = _NUM_CORES * _NUM_SUBCORES


@functools.partial(jax.jit, static_argnames=("b", "s", "d"))
def _sc_gather(ids, table, *, b, s, d):
    n = b * s
    bpw = n // _NUM_WORKERS
    wpr = s // bpw
    chunk = 16
    nchunk = bpw // chunk
    mesh = plsc.VectorSubcoreMesh(core_axis_name="c", subcore_axis_name="s")

    @functools.partial(
        pl.kernel,
        mesh=mesh,
        out_type=jax.ShapeDtypeStruct((b, s, d), table.dtype),
        scratch_types=[
            pltpu.VMEM((bpw,), jnp.int32),
            pltpu.VMEM((chunk, d), table.dtype),
            pltpu.VMEM((chunk, d), table.dtype),
            pltpu.VMEM((chunk, d), table.dtype),
            pltpu.SemaphoreType.DMA,
            pltpu.SemaphoreType.DMA,
            pltpu.SemaphoreType.DMA,
            pltpu.SemaphoreType.DMA,
            pltpu.SemaphoreType.DMA,
            pltpu.SemaphoreType.DMA,
        ],
    )
    def run(ids_hbm, table_hbm, out_hbm, idx_v, b0, b1, b2,
            si0, si1, si2, so0, so1, so2):
        bufs = (b0, b1, b2)
        sins = (si0, si1, si2)
        souts = (so0, so1, so2)
        wid = lax.axis_index("s") * _NUM_CORES + lax.axis_index("c")
        row = wid // wpr
        col = (wid % wpr) * bpw
        pltpu.sync_copy(ids_hbm.at[row, pl.ds(col, bpw)], idx_v)

        def gather_k(g, k):
            return pltpu.make_async_copy(
                table_hbm.at[idx_v.at[pl.ds(g * chunk, chunk)]],
                bufs[k], sins[k])

        def put_k(g, k):
            return pltpu.make_async_copy(
                bufs[k], out_hbm.at[row, pl.ds(col + g * chunk, chunk)],
                souts[k])

        gather_k(0, 0).start()
        gather_k(1, 1).start()
        gather_k(2, 2).start()
        gather_k(0, 0).wait()
        put_k(0, 0).start()

        def step(st, _):
            g = 3 * st + 1
            for j in range(3):
                gj = g + j
                kj = (1 + j) % 3
                kg = j
                put_k(gj - 1, kg).wait()
                gather_k(gj + 2, kg).start()
                gather_k(gj, kj).wait()
                put_k(gj, kj).start()
            return ()

        nsteps = (nchunk - 5) // 3
        lax.fori_loop(0, nsteps, step, ())

        for gj in range(3 * nsteps + 1, nchunk):
            kj = gj % 3
            if gj + 2 < nchunk:
                kg = (gj + 2) % 3
                put_k(gj - 1, kg).wait()
                gather_k(gj + 2, kg).start()
            gather_k(gj, kj).wait()
            put_k(gj, kj).start()
        for gj in range(nchunk - 3, nchunk):
            put_k(gj, gj % 3).wait()

    return run(ids, table)


def kernel(input_ids, embed_table):
    b, s = input_ids.shape
    d = embed_table.shape[1]
    ids = input_ids if input_ids.dtype == jnp.int32 else (
        input_ids.astype(jnp.int32))
    return _sc_gather(ids, embed_table, b=b, s=s, d=d)

# --- scband reference (transcript-rebuilt; emitter-appended) ---
"""Pipeline reference for scband-qwen-vl-part-a-20968030339727 (READ-ONLY COPY).

The authoritative reference and input builder live on the scoring server;
editing this copy changes nothing except your own understanding.
"""

import jax, jax.numpy as jnp
import numpy as np

VOCAB = 151936
D_MODEL = 2048
BATCH = 4
SEQ = 4096

def setup_inputs(seed: int = 0) -> dict:
    key = jax.random.key(seed)
    k_ids, k_tab = jax.random.split(key)
    input_ids = jax.random.randint(k_ids, (BATCH, SEQ), 0, VOCAB, dtype=jnp.int64 if jax.config.jax_enable_x64 else jnp.int32)
    embed_table = jax.random.normal(k_tab, (VOCAB, D_MODEL), dtype=jnp.float32) * 0.02
    return {"input_ids": input_ids, "embed_table": embed_table}

def reference(input_ids, embed_table):
    # QwenVL_PartA.forward: self.qwenvl.model.language_model.embed_tokens(input_ids)
    # nn.Embedding lookup == row gather from the table
    return jnp.take(embed_table, input_ids, axis=0)

if __name__ == "__main__":
    import jax
    _d = setup_inputs()
    print(jax.jit(kernel)(*tuple(_d.values())))

</pallas_src>

<mosaic_0001>
#map = affine_map<(d0, d1) -> (0, 0)>
#map1 = affine_map<(d0, d1) -> (0, 0, 0)>
module attributes {stable_mosaic.version = 14 : i64} {
  func.func @run(%arg0: i32, %arg1: i32, %arg2: memref<4x4096xi32, #tpu.memory_space<hbm>>, %arg3: memref<151936x2048xf32, #tpu.memory_space<hbm>>, %arg4: memref<4x4096x2048xf32, #tpu.memory_space<hbm>>, %arg5: memref<512xi32, #tpu.memory_space<vmem>>, %arg6: memref<16x2048xf32, #tpu.memory_space<vmem>>, %arg7: memref<16x2048xf32, #tpu.memory_space<vmem>>, %arg8: memref<16x2048xf32, #tpu.memory_space<vmem>>, %arg9: memref<!tpu.dma_semaphore, #tpu.memory_space<semaphore_mem>>, %arg10: memref<!tpu.dma_semaphore, #tpu.memory_space<semaphore_mem>>, %arg11: memref<!tpu.dma_semaphore, #tpu.memory_space<semaphore_mem>>, %arg12: memref<!tpu.dma_semaphore, #tpu.memory_space<semaphore_mem>>, %arg13: memref<!tpu.dma_semaphore, #tpu.memory_space<semaphore_mem>>, %arg14: memref<!tpu.dma_semaphore, #tpu.memory_space<semaphore_mem>>) attributes {dimension_semantics = [#tpu.dimension_semantics<core_parallel>, #tpu.dimension_semantics<subcore_parallel>], iteration_bounds = array<i64: 2, 16>, scalar_prefetch = 0 : i64, scratch_operands = 10 : i64, tpu.core_type = #tpu.core_type<sc_vector_subcore>, window_params = [{transform_indices = #map}, {transform_indices = #map}, {transform_indices = #map1}]} {
    %mul3A = arith.constant 2 : i32
    %mul3A_0 = arith.muli %arg1, %mul3A : i32
    %add3A = arith.addi %mul3A_0, %arg0 : i32
    %jit3A = arith.constant 8 : i32
    %div3A = arith.divsi %add3A, %jit3A : i32
    %sign3A = arith.constant 0 : i32
    %sign3A_1 = arith.cmpi sgt, %add3A, %sign3A : i32
    %sign3A_2 = arith.extui %sign3A_1 : i1 to i32
    %sign3A_3 = arith.constant 0 : i32
    %sign3A_4 = arith.cmpi slt, %add3A, %sign3A_3 : i32
    %sign3A_5 = arith.extui %sign3A_4 : i1 to i32
    %sign3A_6 = arith.subi %sign3A_2, %sign3A_5 : i32
    %sign3A_7 = arith.constant 0 : i32
    %sign3A_8 = arith.cmpi sgt, %jit3A, %sign3A_7 : i32
    %sign3A_9 = arith.extui %sign3A_8 : i1 to i32
    %sign3A_10 = arith.constant 0 : i32
    %sign3A_11 = arith.cmpi slt, %jit3A, %sign3A_10 : i32
    %sign3A_12 = arith.extui %sign3A_11 : i1 to i32
    %sign3A_13 = arith.subi %sign3A_9, %sign3A_12 : i32
    %ne3A = arith.cmpi ne, %sign3A_6, %sign3A_13 : i32
    %rem3A = arith.remsi %add3A, %jit3A : i32
    %ne3A_14 = arith.constant 0 : i32
    %ne3A_15 = arith.cmpi ne, %rem3A, %ne3A_14 : i32
    %and3A = arith.andi %ne3A, %ne3A_15 : i1
    %sub3A = arith.constant 1 : i32
    %sub3A_16 = arith.subi %div3A, %sub3A : i32
    %select_n3A = arith.select %and3A, %sub3A_16, %div3A : i32
    %jit3A_17 = arith.constant 8 : i32
    %eq3A = arith.constant 0 : i32
    %eq3A_18 = arith.cmpi eq, %jit3A_17, %eq3A : i32
    %jit3A_19 = arith.constant 1 : i32
    %select_n3A_20 = arith.select %eq3A_18, %jit3A_19, %jit3A_17 : i32
    %rem3A_21 = arith.remsi %add3A, %select_n3A_20 : i32
    %ne3A_22 = arith.constant 0 : i32
    %ne3A_23 = arith.cmpi ne, %rem3A_21, %ne3A_22 : i32
    %lt3A = arith.constant 0 : i32
    %lt3A_24 = arith.cmpi slt, %rem3A_21, %lt3A : i32
    %lt3A_25 = arith.constant 0 : i32
    %lt3A_26 = arith.cmpi slt, %select_n3A_20, %lt3A_25 : i32
    %ne3A_27 = arith.xori %lt3A_24, %lt3A_26 : i1
    %and3A_28 = arith.andi %ne3A_27, %ne3A_23 : i1
    %add3A_29 = arith.addi %rem3A_21, %select_n3A_20 : i32
    %select_n3A_30 = arith.select %and3A_28, %add3A_29, %rem3A_21 : i32
    %mul3A_31 = arith.constant 512 : i32
    %mul3A_32 = arith.muli %select_n3A_30, %mul3A_31 : i32
    "tpu.region"() ({
      %run_scoped3A = tpu.sem_alloc : memref<!tpu.dma_semaphore, #tpu.memory_space<semaphore_mem>>
      %dma_start3A_165 = tpu.memref_slice %arg2[%select_n3A, %mul3A_32] : memref<4x4096xi32, #tpu.memory_space<hbm>> -> memref<1x512xi32, #tpu.memory_space<hbm>>
      %dma_start3A_166 = tpu.memref_squeeze %dma_start3A_165 : memref<1x512xi32, #tpu.memory_space<hbm>> -> memref<512xi32, #tpu.memory_space<hbm>>
      %dma_start3A_167 = tpu.memref_slice %arg2[%select_n3A, %mul3A_32] : memref<4x4096xi32, #tpu.memory_space<hbm>> -> memref<1x512xi32, #tpu.memory_space<hbm>>
      %dma_start3A_168 = tpu.memref_squeeze %dma_start3A_167 : memref<1x512xi32, #tpu.memory_space<hbm>> -> memref<512xi32, #tpu.memory_space<hbm>>
      tpu.enqueue_dma source(%dma_start3A_168 : memref<512xi32, #tpu.memory_space<hbm>>) target(%arg5 : memref<512xi32, #tpu.memory_space<vmem>>) target_semaphore(%run_scoped3A : memref<!tpu.dma_semaphore, #tpu.memory_space<semaphore_mem>>)
      %dma_wait3A_169 = tpu.memref_slice %arg2[%select_n3A, %mul3A_32] : memref<4x4096xi32, #tpu.memory_space<hbm>> -> memref<1x512xi32, #tpu.memory_space<hbm>>
      %dma_wait3A_170 = tpu.memref_squeeze %dma_wait3A_169 : memref<1x512xi32, #tpu.memory_space<hbm>> -> memref<512xi32, #tpu.memory_space<hbm>>
      %dma_wait3A_171 = tpu.memref_slice %arg2[%select_n3A, %mul3A_32] : memref<4x4096xi32, #tpu.memory_space<hbm>> -> memref<1x512xi32, #tpu.memory_space<hbm>>
      %dma_wait3A_172 = tpu.memref_squeeze %dma_wait3A_171 : memref<1x512xi32, #tpu.memory_space<hbm>> -> memref<512xi32, #tpu.memory_space<hbm>>
      tpu.wait_dma2 semaphore(%run_scoped3A : memref<!tpu.dma_semaphore, #tpu.memory_space<semaphore_mem>>) src(%dma_wait3A_172 : memref<512xi32, #tpu.memory_space<hbm>>) dst(%arg5 : memref<512xi32, #tpu.memory_space<vmem>>)
      tpu.yield
    }) : () -> ()
    %dma_start3A = arith.constant 0 : i32
    %dma_start3A_33 = tpu.memref_slice %arg5[%dma_start3A] : memref<512xi32, #tpu.memory_space<vmem>> -> memref<16xi32, #tpu.memory_space<vmem>>
    %dma_start3A_34 = arith.constant 0 : i32
    %dma_start3A_35 = arith.constant 0 : i32
    %dma_start3A_36 = tpu.memref_slice %arg3[%dma_start3A_34, %dma_start3A_35] : memref<151936x2048xf32, #tpu.memory_space<hbm>> -> memref<151936x2048xf32, #tpu.memory_space<hbm>>
    tpu.enqueue_indirect_dma source(%dma_start3A_36 : memref<151936x2048xf32, #tpu.memory_space<hbm>>) target(%arg6 : memref<16x2048xf32, #tpu.memory_space<vmem>>) offsets(%dma_start3A_33 : memref<16xi32, #tpu.memory_space<vmem>>) semaphore(%arg9 : memref<!tpu.dma_semaphore, #tpu.memory_space<semaphore_mem>>)
    %dma_start3A_37 = arith.constant 16 : i32
    %dma_start3A_38 = tpu.memref_slice %arg5[%dma_start3A_37] : memref<512xi32, #tpu.memory_space<vmem>> -> memref<16xi32, #tpu.memory_space<vmem>>
    %dma_start3A_39 = arith.constant 0 : i32
    %dma_start3A_40 = arith.constant 0 : i32
    %dma_start3A_41 = tpu.memref_slice %arg3[%dma_start3A_39, %dma_start3A_40] : memref<151936x2048xf32, #tpu.memory_space<hbm>> -> memref<151936x2048xf32, #tpu.memory_space<hbm>>
    tpu.enqueue_indirect_dma source(%dma_start3A_41 : memref<151936x2048xf32, #tpu.memory_space<hbm>>) target(%arg7 : memref<16x2048xf32, #tpu.memory_space<vmem>>) offsets(%dma_start3A_38 : memref<16xi32, #tpu.memory_space<vmem>>) semaphore(%arg10 : memref<!tpu.dma_semaphore, #tpu.memory_space<semaphore_mem>>)
    %dma_start3A_42 = arith.constant 32 : i32
    %dma_start3A_43 = tpu.memref_slice %arg5[%dma_start3A_42] : memref<512xi32, #tpu.memory_space<vmem>> -> memref<16xi32, #tpu.memory_space<vmem>>
    %dma_start3A_44 = arith.constant 0 : i32
    %dma_start3A_45 = arith.constant 0 : i32
    %dma_start3A_46 = tpu.memref_slice %arg3[%dma_start3A_44, %dma_start3A_45] : memref<151936x2048xf32, #tpu.memory_space<hbm>> -> memref<151936x2048xf32, #tpu.memory_space<hbm>>
    tpu.enqueue_indirect_dma source(%dma_start3A_46 : memref<151936x2048xf32, #tpu.memory_space<hbm>>) target(%arg8 : memref<16x2048xf32, #tpu.memory_space<vmem>>) offsets(%dma_start3A_43 : memref<16xi32, #tpu.memory_space<vmem>>) semaphore(%arg11 : memref<!tpu.dma_semaphore, #tpu.memory_space<semaphore_mem>>)
    %dma_wait3A = arith.constant 0 : i32
    %dma_wait3A_47 = tpu.memref_slice %arg5[%dma_wait3A] : memref<512xi32, #tpu.memory_space<vmem>> -> memref<16xi32, #tpu.memory_space<vmem>>
    %dma_wait3A_48 = arith.constant 0 : i32
    %dma_wait3A_49 = arith.constant 0 : i32
    %dma_wait3A_50 = tpu.memref_slice %arg3[%dma_wait3A_48, %dma_wait3A_49] : memref<151936x2048xf32, #tpu.memory_space<hbm>> -> memref<151936x2048xf32, #tpu.memory_space<hbm>>
    tpu.wait_indirect_dma semaphore(%arg9 : memref<!tpu.dma_semaphore, #tpu.memory_space<semaphore_mem>>) src(%dma_wait3A_50 : memref<151936x2048xf32, #tpu.memory_space<hbm>>) dst(%arg6 : memref<16x2048xf32, #tpu.memory_space<vmem>>)
    %add3A_51 = arith.constant 0 : i32
    %add3A_52 = arith.addi %mul3A_32, %add3A_51 : i32
    %dma_start3A_53 = arith.constant 0 : i32
    %dma_start3A_54 = tpu.memref_slice %arg4[%select_n3A, %add3A_52, %dma_start3A_53] : memref<4x4096x2048xf32, #tpu.memory_space<hbm>> -> memref<1x16x2048xf32, #tpu.memory_space<hbm>>
    %dma_start3A_55 = tpu.memref_squeeze %dma_start3A_54 : memref<1x16x2048xf32, #tpu.memory_space<hbm>> -> memref<16x2048xf32, #tpu.memory_space<hbm>>
    %dma_start3A_56 = arith.constant 0 : i32
    %dma_start3A_57 = tpu.memref_slice %arg4[%select_n3A, %add3A_52, %dma_start3A_56] : memref<4x4096x2048xf32, #tpu.memory_space<hbm>> -> memref<1x16x2048xf32, #tpu.memory_space<hbm>>
    %dma_start3A_58 = tpu.memref_squeeze %dma_start3A_57 : memref<1x16x2048xf32, #tpu.memory_space<hbm>> -> memref<16x2048xf32, #tpu.memory_space<hbm>>
    tpu.enqueue_dma source(%arg6 : memref<16x2048xf32, #tpu.memory_space<vmem>>) target(%dma_start3A_58 : memref<16x2048xf32, #tpu.memory_space<hbm>>) target_semaphore(%arg12 : memref<!tpu.dma_semaphore, #tpu.memory_space<semaphore_mem>>)
    %scan3A = arith.constant 0 : i32
    %scan3A_59 = arith.constant 9 : i32
    %scan3A_60 = arith.addi %scan3A, %scan3A_59 : i32
    %scan3A_61 = arith.constant 1 : i32
    scf.for %scan3A_165 = %scan3A to %scan3A_60 step %scan3A_61  : i32 {
      %mul3A_166 = arith.constant 3 : i32
      %mul3A_167 = arith.muli %mul3A_166, %scan3A_165 : i32
      %add3A_168 = arith.constant 1 : i32
      %add3A_169 = arith.addi %mul3A_167, %add3A_168 : i32
      %add3A_170 = arith.constant 0 : i32
      %add3A_171 = arith.addi %add3A_169, %add3A_170 : i32
      %sub3A_172 = arith.constant 1 : i32
      %sub3A_173 = arith.subi %add3A_171, %sub3A_172 : i32
      %mul3A_174 = arith.constant 16 : i32
      %mul3A_175 = arith.muli %sub3A_173, %mul3A_174 : i32
      %add3A_176 = arith.addi %mul3A_32, %mul3A_175 : i32
      %dma_wait3A_177 = arith.constant 0 : i32
      %dma_wait3A_178 = tpu.memref_slice %arg4[%select_n3A, %add3A_176, %dma_wait3A_177] : memref<4x4096x2048xf32, #tpu.memory_space<hbm>> -> memref<1x16x2048xf32, #tpu.memory_space<hbm>>
      %dma_wait3A_179 = tpu.memref_squeeze %dma_wait3A_178 : memref<1x16x2048xf32, #tpu.memory_space<hbm>> -> memref<16x2048xf32, #tpu.memory_space<hbm>>
      %dma_wait3A_180 = arith.constant 0 : i32
      %dma_wait3A_181 = tpu.memref_slice %arg4[%select_n3A, %add3A_176, %dma_wait3A_180] : memref<4x4096x2048xf32, #tpu.memory_space<hbm>> -> memref<1x16x2048xf32, #tpu.memory_space<hbm>>
      %dma_wait3A_182 = tpu.memref_squeeze %dma_wait3A_181 : memref<1x16x2048xf32, #tpu.memory_space<hbm>> -> memref<16x2048xf32, #tpu.memory_space<hbm>>
      tpu.wait_dma2 semaphore(%arg12 : memref<!tpu.dma_semaphore, #tpu.memory_space<semaphore_mem>>) src(%arg6 : memref<16x2048xf32, #tpu.memory_space<vmem>>) dst(%dma_wait3A_182 : memref<16x2048xf32, #tpu.memory_space<hbm>>)
      %add3A_183 = arith.constant 2 : i32
      %add3A_184 = arith.addi %add3A_171, %add3A_183 : i32
      %mul3A_185 = arith.constant 16 : i32
      %mul3A_186 = arith.muli %add3A_184, %mul3A_185 : i32
      %dma_start3A_187 = tpu.memref_slice %arg5[%mul3A_186] : memref<512xi32, #tpu.memory_space<vmem>> -> memref<16xi32, #tpu.memory_space<vmem>>
      %dma_start3A_188 = arith.constant 0 : i32
      %dma_start3A_189 = arith.constant 0 : i32
      %dma_start3A_190 = tpu.memref_slice %arg3[%dma_start3A_188, %dma_start3A_189] : memref<151936x2048xf32, #tpu.memory_space<hbm>> -> memref<151936x2048xf32, #tpu.memory_space<hbm>>
      tpu.enqueue_indirect_dma source(%dma_start3A_190 : memref<151936x2048xf32, #tpu.memory_space<hbm>>) target(%arg6 : memref<16x2048xf32, #tpu.memory_space<vmem>>) offsets(%dma_start3A_187 : memref<16xi32, #tpu.memory_space<vmem>>) semaphore(%arg9 : memref<!tpu.dma_semaphore, #tpu.memory_space<semaphore_mem>>)
      %mul3A_191 = arith.constant 16 : i32
      %mul3A_192 = arith.muli %add3A_171, %mul3A_191 : i32
      %dma_wait3A_193 = tpu.memref_slice %arg5[%mul3A_192] : memref<512xi32, #tpu.memory_space<vmem>> -> memref<16xi32, #tpu.memory_space<vmem>>
      %dma_wait3A_194 = arith.constant 0 : i32
      %dma_wait3A_195 = arith.constant 0 : i32
      %dma_wait3A_196 = tpu.memref_slice %arg3[%dma_wait3A_194, %dma_wait3A_195] : memref<151936x2048xf32, #tpu.memory_space<hbm>> -> memref<151936x2048xf32, #tpu.memory_space<hbm>>
      tpu.wait_indirect_dma semaphore(%arg10 : memref<!tpu.dma_semaphore, #tpu.memory_space<semaphore_mem>>) src(%dma_wait3A_196 : memref<151936x2048xf32, #tpu.memory_space<hbm>>) dst(%arg7 : memref<16x2048xf32, #tpu.memory_space<vmem>>)
      %mul3A_197 = arith.constant 16 : i32
      %mul3A_198 = arith.muli %add3A_171, %mul3A_197 : i32
      %add3A_199 = arith.addi %mul3A_32, %mul3A_198 : i32
      %dma_start3A_200 = arith.constant 0 : i32
      %dma_start3A_201 = tpu.memref_slice %arg4[%select_n3A, %add3A_199, %dma_start3A_200] : memref<4x4096x2048xf32, #tpu.memory_space<hbm>> -> memref<1x16x2048xf32, #tpu.memory_space<hbm>>
      %dma_start3A_202 = tpu.memref_squeeze %dma_start3A_201 : memref<1x16x2048xf32, #tpu.memory_space<hbm>> -> memref<16x2048xf32, #tpu.memory_space<hbm>>
      %dma_start3A_203 = arith.constant 0 : i32
      %dma_start3A_204 = tpu.memref_slice %arg4[%select_n3A, %add3A_199, %dma_start3A_203] : memref<4x4096x2048xf32, #tpu.memory_space<hbm>> -> memref<1x16x2048xf32, #tpu.memory_space<hbm>>
      %dma_start3A_205 = tpu.memref_squeeze %dma_start3A_204 : memref<1x16x2048xf32, #tpu.memory_space<hbm>> -> memref<16x2048xf32, #tpu.memory_space<hbm>>
      tpu.enqueue_dma source(%arg7 : memref<16x2048xf32, #tpu.memory_space<vmem>>) target(%dma_start3A_205 : memref<16x2048xf32, #tpu.memory_space<hbm>>) target_semaphore(%arg13 : memref<!tpu.dma_semaphore, #tpu.memory_space<semaphore_mem>>)
      %add3A_206 = arith.constant 1 : i32
      %add3A_207 = arith.addi %add3A_169, %add3A_206 : i32
      %sub3A_208 = arith.constant 1 : i32
      %sub3A_209 = arith.subi %add3A_207, %sub3A_208 : i32
      %mul3A_210 = arith.constant 16 : i32
      %mul3A_211 = arith.muli %sub3A_209, %mul3A_210 : i32
      %add3A_212 = arith.addi %mul3A_32, %mul3A_211 : i32
      %dma_wait3A_213 = arith.constant 0 : i32
      %dma_wait3A_214 = tpu.memref_slice %arg4[%select_n3A, %add3A_212, %dma_wait3A_213] : memref<4x4096x2048xf32, #tpu.memory_space<hbm>> -> memref<1x16x2048xf32, #tpu.memory_space<hbm>>
      %dma_wait3A_215 = tpu.memref_squeeze %dma_wait3A_214 : memref<1x16x2048xf32, #tpu.memory_space<hbm>> -> memref<16x2048xf32, #tpu.memory_space<hbm>>
      %dma_wait3A_216 = arith.constant 0 : i32
      %dma_wait3A_217 = tpu.memref_slice %arg4[%select_n3A, %add3A_212, %dma_wait3A_216] : memref<4x4096x2048xf32, #tpu.memory_space<hbm>> -> memref<1x16x2048xf32, #tpu.memory_space<hbm>>
      %dma_wait3A_218 = tpu.memref_squeeze %dma_wait3A_217 : memref<1x16x2048xf32, #tpu.memory_space<hbm>> -> memref<16x2048xf32, #tpu.memory_space<hbm>>
      tpu.wait_dma2 semaphore(%arg13 : memref<!tpu.dma_semaphore, #tpu.memory_space<semaphore_mem>>) src(%arg7 : memref<16x2048xf32, #tpu.memory_space<vmem>>) dst(%dma_wait3A_218 : memref<16x2048xf32, #tpu.memory_space<hbm>>)
      %add3A_219 = arith.constant 2 : i32
      %add3A_220 = arith.addi %add3A_207, %add3A_219 : i32
      %mul3A_221 = arith.constant 16 : i32
      %mul3A_222 = arith.muli %add3A_220, %mul3A_221 : i32
      %dma_start3A_223 = tpu.memref_slice %arg5[%mul3A_222] : memref<512xi32, #tpu.memory_space<vmem>> -> memref<16xi32, #tpu.memory_space<vmem>>
      %dma_start3A_224 = arith.constant 0 : i32
      %dma_start3A_225 = arith.constant 0 : i32
      %dma_start3A_226 = tpu.memref_slice %arg3[%dma_start3A_224, %dma_start3A_225] : memref<151936x2048xf32, #tpu.memory_space<hbm>> -> memref<151936x2048xf32, #tpu.memory_space<hbm>>
      tpu.enqueue_indirect_dma source(%dma_start3A_226 : memref<151936x2048xf32, #tpu.memory_space<hbm>>) target(%arg7 : memref<16x2048xf32, #tpu.memory_space<vmem>>) offsets(%dma_start3A_223 : memref<16xi32, #tpu.memory_space<vmem>>) semaphore(%arg10 : memref<!tpu.dma_semaphore, #tpu.memory_space<semaphore_mem>>)
      %mul3A_227 = arith.constant 16 : i32
      %mul3A_228 = arith.muli %add3A_207, %mul3A_227 : i32
      %dma_wait3A_229 = tpu.memref_slice %arg5[%mul3A_228] : memref<512xi32, #tpu.memory_space<vmem>> -> memref<16xi32, #tpu.memory_space<vmem>>
      %dma_wait3A_230 = arith.constant 0 : i32
      %dma_wait3A_231 = arith.constant 0 : i32
      %dma_wait3A_232 = tpu.memref_slice %arg3[%dma_wait3A_230, %dma_wait3A_231] : memref<151936x2048xf32, #tpu.memory_space<hbm>> -> memref<151936x2048xf32, #tpu.memory_space<hbm>>
      tpu.wait_indirect_dma semaphore(%arg11 : memref<!tpu.dma_semaphore, #tpu.memory_space<semaphore_mem>>) src(%dma_wait3A_232 : memref<151936x2048xf32, #tpu.memory_space<hbm>>) dst(%arg8 : memref<16x2048xf32, #tpu.memory_space<vmem>>)
      %mul3A_233 = arith.constant 16 : i32
      %mul3A_234 = arith.muli %add3A_207, %mul3A_233 : i32
      %add3A_235 = arith.addi %mul3A_32, %mul3A_234 : i32
      %dma_start3A_236 = arith.constant 0 : i32
      %dma_start3A_237 = tpu.memref_slice %arg4[%select_n3A, %add3A_235, %dma_start3A_236] : memref<4x4096x2048xf32, #tpu.memory_space<hbm>> -> memref<1x16x2048xf32, #tpu.memory_space<hbm>>
      %dma_start3A_238 = tpu.memref_squeeze %dma_start3A_237 : memref<1x16x2048xf32, #tpu.memory_space<hbm>> -> memref<16x2048xf32, #tpu.memory_space<hbm>>
      %dma_start3A_239 = arith.constant 0 : i32
      %dma_start3A_240 = tpu.memref_slice %arg4[%select_n3A, %add3A_235, %dma_start3A_239] : memref<4x4096x2048xf32, #tpu.memory_space<hbm>> -> memref<1x16x2048xf32, #tpu.memory_space<hbm>>
      %dma_start3A_241 = tpu.memref_squeeze %dma_start3A_240 : memref<1x16x2048xf32, #tpu.memory_space<hbm>> -> memref<16x2048xf32, #tpu.memory_space<hbm>>
      tpu.enqueue_dma source(%arg8 : memref<16x2048xf32, #tpu.memory_space<vmem>>) target(%dma_start3A_241 : memref<16x2048xf32, #tpu.memory_space<hbm>>) target_semaphore(%arg14 : memref<!tpu.dma_semaphore, #tpu.memory_space<semaphore_mem>>)
      %add3A_242 = arith.constant 2 : i32
      %add3A_243 = arith.addi %add3A_169, %add3A_242 : i32
      %sub3A_244 = arith.constant 1 : i32
      %sub3A_245 = arith.subi %add3A_243, %sub3A_244 : i32
      %mul3A_246 = arith.constant 16 : i32
      %mul3A_247 = arith.muli %sub3A_245, %mul3A_246 : i32
      %add3A_248 = arith.addi %mul3A_32, %mul3A_247 : i32
      %dma_wait3A_249 = arith.constant 0 : i32
      %dma_wait3A_250 = tpu.memref_slice %arg4[%select_n3A, %add3A_248, %dma_wait3A_249] : memref<4x4096x2048xf32, #tpu.memory_space<hbm>> -> memref<1x16x2048xf32, #tpu.memory_space<hbm>>
      %dma_wait3A_251 = tpu.memref_squeeze %dma_wait3A_250 : memref<1x16x2048xf32, #tpu.memory_space<hbm>> -> memref<16x2048xf32, #tpu.memory_space<hbm>>
      %dma_wait3A_252 = arith.constant 0 : i32
      %dma_wait3A_253 = tpu.memref_slice %arg4[%select_n3A, %add3A_248, %dma_wait3A_252] : memref<4x4096x2048xf32, #tpu.memory_space<hbm>> -> memref<1x16x2048xf32, #tpu.memory_space<hbm>>
      %dma_wait3A_254 = tpu.memref_squeeze %dma_wait3A_253 : memref<1x16x2048xf32, #tpu.memory_space<hbm>> -> memref<16x2048xf32, #tpu.memory_space<hbm>>
      tpu.wait_dma2 semaphore(%arg14 : memref<!tpu.dma_semaphore, #tpu.memory_space<semaphore_mem>>) src(%arg8 : memref<16x2048xf32, #tpu.memory_space<vmem>>) dst(%dma_wait3A_254 : memref<16x2048xf32, #tpu.memory_space<hbm>>)
      %add3A_255 = arith.constant 2 : i32
      %add3A_256 = arith.addi %add3A_243, %add3A_255 : i32
      %mul3A_257 = arith.constant 16 : i32
      %mul3A_258 = arith.muli %add3A_256, %mul3A_257 : i32
      %dma_start3A_259 = tpu.memref_slice %arg5[%mul3A_258] : memref<512xi32, #tpu.memory_space<vmem>> -> memref<16xi32, #tpu.memory_space<vmem>>
      %dma_start3A_260 = arith.constant 0 : i32
      %dma_start3A_261 = arith.constant 0 : i32
      %dma_start3A_262 = tpu.memref_slice %arg3[%dma_start3A_260, %dma_start3A_261] : memref<151936x2048xf32, #tpu.memory_space<hbm>> -> memref<151936x2048xf32, #tpu.memory_space<hbm>>
      tpu.enqueue_indirect_dma source(%dma_start3A_262 : memref<151936x2048xf32, #tpu.memory_space<hbm>>) target(%arg8 : memref<16x2048xf32, #tpu.memory_space<vmem>>) offsets(%dma_start3A_259 : memref<16xi32, #tpu.memory_space<vmem>>) semaphore(%arg11 : memref<!tpu.dma_semaphore, #tpu.memory_space<semaphore_mem>>)
      %mul3A_263 = arith.constant 16 : i32
      %mul3A_264 = arith.muli %add3A_243, %mul3A_263 : i32
      %dma_wait3A_265 = tpu.memref_slice %arg5[%mul3A_264] : memref<512xi32, #tpu.memory_space<vmem>> -> memref<16xi32, #tpu.memory_space<vmem>>
      %dma_wait3A_266 = arith.constant 0 : i32
      %dma_wait3A_267 = arith.constant 0 : i32
      %dma_wait3A_268 = tpu.memref_slice %arg3[%dma_wait3A_266, %dma_wait3A_267] : memref<151936x2048xf32, #tpu.memory_space<hbm>> -> memref<151936x2048xf32, #tpu.memory_space<hbm>>
      tpu.wait_indirect_dma semaphore(%arg9 : memref<!tpu.dma_semaphore, #tpu.memory_space<semaphore_mem>>) src(%dma_wait3A_268 : memref<151936x2048xf32, #tpu.memory_space<hbm>>) dst(%arg6 : memref<16x2048xf32, #tpu.memory_space<vmem>>)
      %mul3A_269 = arith.constant 16 : i32
      %mul3A_270 = arith.muli %add3A_243, %mul3A_269 : i32
      %add3A_271 = arith.addi %mul3A_32, %mul3A_270 : i32
      %dma_start3A_272 = arith.constant 0 : i32
      %dma_start3A_273 = tpu.memref_slice %arg4[%select_n3A, %add3A_271, %dma_start3A_272] : memref<4x4096x2048xf32, #tpu.memory_space<hbm>> -> memref<1x16x2048xf32, #tpu.memory_space<hbm>>
      %dma_start3A_274 = tpu.memref_squeeze %dma_start3A_273 : memref<1x16x2048xf32, #tpu.memory_space<hbm>> -> memref<16x2048xf32, #tpu.memory_space<hbm>>
      %dma_start3A_275 = arith.constant 0 : i32
      %dma_start3A_276 = tpu.memref_slice %arg4[%select_n3A, %add3A_271, %dma_start3A_275] : memref<4x4096x2048xf32, #tpu.memory_space<hbm>> -> memref<1x16x2048xf32, #tpu.memory_space<hbm>>
      %dma_start3A_277 = tpu.memref_squeeze %dma_start3A_276 : memref<1x16x2048xf32, #tpu.memory_space<hbm>> -> memref<16x2048xf32, #tpu.memory_space<hbm>>
      tpu.enqueue_dma source(%arg6 : memref<16x2048xf32, #tpu.memory_space<vmem>>) target(%dma_start3A_277 : memref<16x2048xf32, #tpu.memory_space<hbm>>) target_semaphore(%arg12 : memref<!tpu.dma_semaphore, #tpu.memory_space<semaphore_mem>>)
    }
    %scan3A_62 = arith.constant 9 : i32
    %add3A_63 = arith.constant 432 : i32
    %add3A_64 = arith.addi %mul3A_32, %add3A_63 : i32
    %dma_wait3A_65 = arith.constant 0 : i32
    %dma_wait3A_66 = tpu.memref_slice %arg4[%select_n3A, %add3A_64, %dma_wait3A_65] : memref<4x4096x2048xf32, #tpu.memory_space<hbm>> -> memref<1x16x2048xf32, #tpu.memory_space<hbm>>
    %dma_wait3A_67 = tpu.memref_squeeze %dma_wait3A_66 : memref<1x16x2048xf32, #tpu.memory_space<hbm>> -> memref<16x2048xf32, #tpu.memory_space<hbm>>
    %dma_wait3A_68 = arith.constant 0 : i32
    %dma_wait3A_69 = tpu.memref_slice %arg4[%select_n3A, %add3A_64, %dma_wait3A_68] : memref<4x4096x2048xf32, #tpu.memory_space<hbm>> -> memref<1x16x2048xf32, #tpu.memory_space<hbm>>
    %dma_wait3A_70 = tpu.memref_squeeze %dma_wait3A_69 : memref<1x16x2048xf32, #tpu.memory_space<hbm>> -> memref<16x2048xf32, #tpu.memory_space<hbm>>
    tpu.wait_dma2 semaphore(%arg12 : memref<!tpu.dma_semaphore, #tpu.memory_space<semaphore_mem>>) src(%arg6 : memref<16x2048xf32, #tpu.memory_space<vmem>>) dst(%dma_wait3A_70 : memref<16x2048xf32, #tpu.memory_space<hbm>>)
    %dma_start3A_71 = arith.constant 480 : i32
    %dma_start3A_72 = tpu.memref_slice %arg5[%dma_start3A_71] : memref<512xi32, #tpu.memory_space<vmem>> -> memref<16xi32, #tpu.memory_space<vmem>>
    %dma_start3A_73 = arith.constant 0 : i32
    %dma_start3A_74 = arith.constant 0 : i32
    %dma_start3A_75 = tpu.memref_slice %arg3[%dma_start3A_73, %dma_start3A_74] : memref<151936x2048xf32, #tpu.memory_space<hbm>> -> memref<151936x2048xf32, #tpu.memory_space<hbm>>
    tpu.enqueue_indirect_dma source(%dma_start3A_75 : memref<151936x2048xf32, #tpu.memory_space<hbm>>) target(%arg6 : memref<16x2048xf32, #tpu.memory_space<vmem>>) offsets(%dma_start3A_72 : memref<16xi32, #tpu.memory_space<vmem>>) semaphore(%arg9 : memref<!tpu.dma_semaphore, #tpu.memory_space<semaphore_mem>>)
    %dma_wait3A_76 = arith.constant 448 : i32
    %dma_wait3A_77 = tpu.memref_slice %arg5[%dma_wait3A_76] : memref<512xi32, #tpu.memory_space<vmem>> -> memref<16xi32, #tpu.memory_space<vmem>>
    %dma_wait3A_78 = arith.constant 0 : i32
    %dma_wait3A_79 = arith.constant 0 : i32
    %dma_wait3A_80 = tpu.memref_slice %arg3[%dma_wait3A_78, %dma_wait3A_79] : memref<151936x2048xf32, #tpu.memory_space<hbm>> -> memref<151936x2048xf32, #tpu.memory_space<hbm>>
    tpu.wait_indirect_dma semaphore(%arg10 : memref<!tpu.dma_semaphore, #tpu.memory_space<semaphore_mem>>) src(%dma_wait3A_80 : memref<151936x2048xf32, #tpu.memory_space<hbm>>) dst(%arg7 : memref<16x2048xf32, #tpu.memory_space<vmem>>)
    %add3A_81 = arith.constant 448 : i32
    %add3A_82 = arith.addi %mul3A_32, %add3A_81 : i32
    %dma_start3A_83 = arith.constant 0 : i32
    %dma_start3A_84 = tpu.memref_slice %arg4[%select_n3A, %add3A_82, %dma_start3A_83] : memref<4x4096x2048xf32, #tpu.memory_space<hbm>> -> memref<1x16x2048xf32, #tpu.memory_space<hbm>>
    %dma_start3A_85 = tpu.memref_squeeze %dma_start3A_84 : memref<1x16x2048xf32, #tpu.memory_space<hbm>> -> memref<16x2048xf32, #tpu.memory_space<hbm>>
    %dma_start3A_86 = arith.constant 0 : i32
    %dma_start3A_87 = tpu.memref_slice %arg4[%select_n3A, %add3A_82, %dma_start3A_86] : memref<4x4096x2048xf32, #tpu.memory_space<hbm>> -> memref<1x16x2048xf32, #tpu.memory_space<hbm>>
    %dma_start3A_88 = tpu.memref_squeeze %dma_start3A_87 : memref<1x16x2048xf32, #tpu.memory_space<hbm>> -> memref<16x2048xf32, #tpu.memory_space<hbm>>
    tpu.enqueue_dma source(%arg7 : memref<16x2048xf32, #tpu.memory_space<vmem>>) target(%dma_start3A_88 : memref<16x2048xf32, #tpu.memory_space<hbm>>) target_semaphore(%arg13 : memref<!tpu.dma_semaphore, #tpu.memory_space<semaphore_mem>>)
    %add3A_89 = arith.constant 448 : i32
    %add3A_90 = arith.addi %mul3A_32, %add3A_89 : i32
    %dma_wait3A_91 = arith.constant 0 : i32
    %dma_wait3A_92 = tpu.memref_slice %arg4[%select_n3A, %add3A_90, %dma_wait3A_91] : memref<4x4096x2048xf32, #tpu.memory_space<hbm>> -> memref<1x16x2048xf32, #tpu.memory_space<hbm>>
    %dma_wait3A_93 = tpu.memref_squeeze %dma_wait3A_92 : memref<1x16x2048xf32, #tpu.memory_space<hbm>> -> memref<16x2048xf32, #tpu.memory_space<hbm>>
    %dma_wait3A_94 = arith.constant 0 : i32
    %dma_wait3A_95 = tpu.memref_slice %arg4[%select_n3A, %add3A_90, %dma_wait3A_94] : memref<4x4096x2048xf32, #tpu.memory_space<hbm>> -> memref<1x16x2048xf32, #tpu.memory_space<hbm>>
    %dma_wait3A_96 = tpu.memref_squeeze %dma_wait3A_95 : memref<1x16x2048xf32, #tpu.memory_space<hbm>> -> memref<16x2048xf32, #tpu.memory_space<hbm>>
    tpu.wait_dma2 semaphore(%arg13 : memref<!tpu.dma_semaphore, #tpu.memory_space<semaphore_mem>>) src(%arg7 : memref<16x2048xf32, #tpu.memory_space<vmem>>) dst(%dma_wait3A_96 : memref<16x2048xf32, #tpu.memory_space<hbm>>)
    %dma_start3A_97 = arith.constant 496 : i32
    %dma_start3A_98 = tpu.memref_slice %arg5[%dma_start3A_97] : memref<512xi32, #tpu.memory_space<vmem>> -> memref<16xi32, #tpu.memory_space<vmem>>
    %dma_start3A_99 = arith.constant 0 : i32
    %dma_start3A_100 = arith.constant 0 : i32
    %dma_start3A_101 = tpu.memref_slice %arg3[%dma_start3A_99, %dma_start3A_100] : memref<151936x2048xf32, #tpu.memory_space<hbm>> -> memref<151936x2048xf32, #tpu.memory_space<hbm>>
    tpu.enqueue_indirect_dma source(%dma_start3A_101 : memref<151936x2048xf32, #tpu.memory_space<hbm>>) target(%arg7 : memref<16x2048xf32, #tpu.memory_space<vmem>>) offsets(%dma_start3A_98 : memref<16xi32, #tpu.memory_space<vmem>>) semaphore(%arg10 : memref<!tpu.dma_semaphore, #tpu.memory_space<semaphore_mem>>)
    %dma_wait3A_102 = arith.constant 464 : i32
    %dma_wait3A_103 = tpu.memref_slice %arg5[%dma_wait3A_102] : memref<512xi32, #tpu.memory_space<vmem>> -> memref<16xi32, #tpu.memory_space<vmem>>
    %dma_wait3A_104 = arith.constant 0 : i32
    %dma_wait3A_105 = arith.constant 0 : i32
    %dma_wait3A_106 = tpu.memref_slice %arg3[%dma_wait3A_104, %dma_wait3A_105] : memref<151936x2048xf32, #tpu.memory_space<hbm>> -> memref<151936x2048xf32, #tpu.memory_space<hbm>>
    tpu.wait_indirect_dma semaphore(%arg11 : memref<!tpu.dma_semaphore, #tpu.memory_space<semaphore_mem>>) src(%dma_wait3A_106 : memref<151936x2048xf32, #tpu.memory_space<hbm>>) dst(%arg8 : memref<16x2048xf32, #tpu.memory_space<vmem>>)
    %add3A_107 = arith.constant 464 : i32
    %add3A_108 = arith.addi %mul3A_32, %add3A_107 : i32
    %dma_start3A_109 = arith.constant 0 : i32
    %dma_start3A_110 = tpu.memref_slice %arg4[%select_n3A, %add3A_108, %dma_start3A_109] : memref<4x4096x2048xf32, #tpu.memory_space<hbm>> -> memref<1x16x2048xf32, #tpu.memory_space<hbm>>
    %dma_start3A_111 = tpu.memref_squeeze %dma_start3A_110 : memref<1x16x2048xf32, #tpu.memory_space<hbm>> -> memref<16x2048xf32, #tpu.memory_space<hbm>>
    %dma_start3A_112 = arith.constant 0 : i32
    %dma_start3A_113 = tpu.memref_slice %arg4[%select_n3A, %add3A_108, %dma_start3A_112] : memref<4x4096x2048xf32, #tpu.memory_space<hbm>> -> memref<1x16x2048xf32, #tpu.memory_space<hbm>>
    %dma_start3A_114 = tpu.memref_squeeze %dma_start3A_113 : memref<1x16x2048xf32, #tpu.memory_space<hbm>> -> memref<16x2048xf32, #tpu.memory_space<hbm>>
    tpu.enqueue_dma source(%arg8 : memref<16x2048xf32, #tpu.memory_space<vmem>>) target(%dma_start3A_114 : memref<16x2048xf32, #tpu.memory_space<hbm>>) target_semaphore(%arg14 : memref<!tpu.dma_semaphore, #tpu.memory_space<semaphore_mem>>)
    %dma_wait3A_115 = arith.constant 480 : i32
    %dma_wait3A_116 = tpu.memref_slice %arg5[%dma_wait3A_115] : memref<512xi32, #tpu.memory_space<vmem>> -> memref<16xi32, #tpu.memory_space<vmem>>
    %dma_wait3A_117 = arith.constant 0 : i32
    %dma_wait3A_118 = arith.constant 0 : i32
    %dma_wait3A_119 = tpu.memref_slice %arg3[%dma_wait3A_117, %dma_wait3A_118] : memref<151936x2048xf32, #tpu.memory_space<hbm>> -> memref<151936x2048xf32, #tpu.memory_space<hbm>>
    tpu.wait_indirect_dma semaphore(%arg9 : memref<!tpu.dma_semaphore, #tpu.memory_space<semaphore_mem>>) src(%dma_wait3A_119 : memref<151936x2048xf32, #tpu.memory_space<hbm>>) dst(%arg6 : memref<16x2048xf32, #tpu.memory_space<vmem>>)
    %add3A_120 = arith.constant 480 : i32
    %add3A_121 = arith.addi %mul3A_32, %add3A_120 : i32
    %dma_start3A_122 = arith.constant 0 : i32
    %dma_start3A_123 = tpu.memref_slice %arg4[%select_n3A, %add3A_121, %dma_start3A_122] : memref<4x4096x2048xf32, #tpu.memory_space<hbm>> -> memref<1x16x2048xf32, #tpu.memory_space<hbm>>
    %dma_start3A_124 = tpu.memref_squeeze %dma_start3A_123 : memref<1x16x2048xf32, #tpu.memory_space<hbm>> -> memref<16x2048xf32, #tpu.memory_space<hbm>>
    %dma_start3A_125 = arith.constant 0 : i32
    %dma_start3A_126 = tpu.memref_slice %arg4[%select_n3A, %add3A_121, %dma_start3A_125] : memref<4x4096x2048xf32, #tpu.memory_space<hbm>> -> memref<1x16x2048xf32, #tpu.memory_space<hbm>>
    %dma_start3A_127 = tpu.memref_squeeze %dma_start3A_126 : memref<1x16x2048xf32, #tpu.memory_space<hbm>> -> memref<16x2048xf32, #tpu.memory_space<hbm>>
    tpu.enqueue_dma source(%arg6 : memref<16x2048xf32, #tpu.memory_space<vmem>>) target(%dma_start3A_127 : memref<16x2048xf32, #tpu.memory_space<hbm>>) target_semaphore(%arg12 : memref<!tpu.dma_semaphore, #tpu.memory_space<semaphore_mem>>)
    %dma_wait3A_128 = arith.constant 496 : i32
    %dma_wait3A_129 = tpu.memref_slice %arg5[%dma_wait3A_128] : memref<512xi32, #tpu.memory_space<vmem>> -> memref<16xi32, #tpu.memory_space<vmem>>
    %dma_wait3A_130 = arith.constant 0 : i32
    %dma_wait3A_131 = arith.constant 0 : i32
    %dma_wait3A_132 = tpu.memref_slice %arg3[%dma_wait3A_130, %dma_wait3A_131] : memref<151936x2048xf32, #tpu.memory_space<hbm>> -> memref<151936x2048xf32, #tpu.memory_space<hbm>>
    tpu.wait_indirect_dma semaphore(%arg10 : memref<!tpu.dma_semaphore, #tpu.memory_space<semaphore_mem>>) src(%dma_wait3A_132 : memref<151936x2048xf32, #tpu.memory_space<hbm>>) dst(%arg7 : memref<16x2048xf32, #tpu.memory_space<vmem>>)
    %add3A_133 = arith.constant 496 : i32
    %add3A_134 = arith.addi %mul3A_32, %add3A_133 : i32
    %dma_start3A_135 = arith.constant 0 : i32
    %dma_start3A_136 = tpu.memref_slice %arg4[%select_n3A, %add3A_134, %dma_start3A_135] : memref<4x4096x2048xf32, #tpu.memory_space<hbm>> -> memref<1x16x2048xf32, #tpu.memory_space<hbm>>
    %dma_start3A_137 = tpu.memref_squeeze %dma_start3A_136 : memref<1x16x2048xf32, #tpu.memory_space<hbm>> -> memref<16x2048xf32, #tpu.memory_space<hbm>>
    %dma_start3A_138 = arith.constant 0 : i32
    %dma_start3A_139 = tpu.memref_slice %arg4[%select_n3A, %add3A_134, %dma_start3A_138] : memref<4x4096x2048xf32, #tpu.memory_space<hbm>> -> memref<1x16x2048xf32, #tpu.memory_space<hbm>>
    %dma_start3A_140 = tpu.memref_squeeze %dma_start3A_139 : memref<1x16x2048xf32, #tpu.memory_space<hbm>> -> memref<16x2048xf32, #tpu.memory_space<hbm>>
    tpu.enqueue_dma source(%arg7 : memref<16x2048xf32, #tpu.memory_space<vmem>>) target(%dma_start3A_140 : memref<16x2048xf32, #tpu.memory_space<hbm>>) target_semaphore(%arg13 : memref<!tpu.dma_semaphore, #tpu.memory_space<semaphore_mem>>)
    %add3A_141 = arith.constant 464 : i32
    %add3A_142 = arith.addi %mul3A_32, %add3A_141 : i32
    %dma_wait3A_143 = arith.constant 0 : i32
    %dma_wait3A_144 = tpu.memref_slice %arg4[%select_n3A, %add3A_142, %dma_wait3A_143] : memref<4x4096x2048xf32, #tpu.memory_space<hbm>> -> memref<1x16x2048xf32, #tpu.memory_space<hbm>>
    %dma_wait3A_145 = tpu.memref_squeeze %dma_wait3A_144 : memref<1x16x2048xf32, #tpu.memory_space<hbm>> -> memref<16x2048xf32, #tpu.memory_space<hbm>>
    %dma_wait3A_146 = arith.constant 0 : i32
    %dma_wait3A_147 = tpu.memref_slice %arg4[%select_n3A, %add3A_142, %dma_wait3A_146] : memref<4x4096x2048xf32, #tpu.memory_space<hbm>> -> memref<1x16x2048xf32, #tpu.memory_space<hbm>>
    %dma_wait3A_148 = tpu.memref_squeeze %dma_wait3A_147 : memref<1x16x2048xf32, #tpu.memory_space<hbm>> -> memref<16x2048xf32, #tpu.memory_space<hbm>>
    tpu.wait_dma2 semaphore(%arg14 : memref<!tpu.dma_semaphore, #tpu.memory_space<semaphore_mem>>) src(%arg8 : memref<16x2048xf32, #tpu.memory_space<vmem>>) dst(%dma_wait3A_148 : memref<16x2048xf32, #tpu.memory_space<hbm>>)
    %add3A_149 = arith.constant 480 : i32
    %add3A_150 = arith.addi %mul3A_32, %add3A_149 : i32
    %dma_wait3A_151 = arith.constant 0 : i32
    %dma_wait3A_152 = tpu.memref_slice %arg4[%select_n3A, %add3A_150, %dma_wait3A_151] : memref<4x4096x2048xf32, #tpu.memory_space<hbm>> -> memref<1x16x2048xf32, #tpu.memory_space<hbm>>
    %dma_wait3A_153 = tpu.memref_squeeze %dma_wait3A_152 : memref<1x16x2048xf32, #tpu.memory_space<hbm>> -> memref<16x2048xf32, #tpu.memory_space<hbm>>
    %dma_wait3A_154 = arith.constant 0 : i32
    %dma_wait3A_155 = tpu.memref_slice %arg4[%select_n3A, %add3A_150, %dma_wait3A_154] : memref<4x4096x2048xf32, #tpu.memory_space<hbm>> -> memref<1x16x2048xf32, #tpu.memory_space<hbm>>
    %dma_wait3A_156 = tpu.memref_squeeze %dma_wait3A_155 : memref<1x16x2048xf32, #tpu.memory_space<hbm>> -> memref<16x2048xf32, #tpu.memory_space<hbm>>
    tpu.wait_dma2 semaphore(%arg12 : memref<!tpu.dma_semaphore, #tpu.memory_space<semaphore_mem>>) src(%arg6 : memref<16x2048xf32, #tpu.memory_space<vmem>>) dst(%dma_wait3A_156 : memref<16x2048xf32, #tpu.memory_space<hbm>>)
    %add3A_157 = arith.constant 496 : i32
    %add3A_158 = arith.addi %mul3A_32, %add3A_157 : i32
    %dma_wait3A_159 = arith.constant 0 : i32
    %dma_wait3A_160 = tpu.memref_slice %arg4[%select_n3A, %add3A_158, %dma_wait3A_159] : memref<4x4096x2048xf32, #tpu.memory_space<hbm>> -> memref<1x16x2048xf32, #tpu.memory_space<hbm>>
    %dma_wait3A_161 = tpu.memref_squeeze %dma_wait3A_160 : memref<1x16x2048xf32, #tpu.memory_space<hbm>> -> memref<16x2048xf32, #tpu.memory_space<hbm>>
    %dma_wait3A_162 = arith.constant 0 : i32
    %dma_wait3A_163 = tpu.memref_slice %arg4[%select_n3A, %add3A_158, %dma_wait3A_162] : memref<4x4096x2048xf32, #tpu.memory_space<hbm>> -> memref<1x16x2048xf32, #tpu.memory_space<hbm>>
    %dma_wait3A_164 = tpu.memref_squeeze %dma_wait3A_163 : memref<1x16x2048xf32, #tpu.memory_space<hbm>> -> memref<16x2048xf32, #tpu.memory_space<hbm>>
    tpu.wait_dma2 semaphore(%arg13 : memref<!tpu.dma_semaphore, #tpu.memory_space<semaphore_mem>>) src(%arg7 : memref<16x2048xf32, #tpu.memory_space<vmem>>) dst(%dma_wait3A_164 : memref<16x2048xf32, #tpu.memory_space<hbm>>)
    return
  }
}

</mosaic_0001>

<sc_bundles>
// kernel: _sc_gather.3.cloned.1.call-start
scs
__scs_entry_jumppad:
0x0: {  	(pc) =	sbr.rel $0x88, $3  }
0x1: {  	(tag) =	ssettag $0x0;
	lr =	simm.s32 $0x1  }
0x2: {  	[smem:$0x3F9F] =	sst lr;
	_ =	strace $0xD0000000  }
0x3: {  	_ = 	snop  }
0x4: {  	_ = 	snop  }
0x5: {  	_ = 	snop  }
0x6: {  	_ = 	snop  }
0x7: {  	_ = 	snop  }
__scs_overlays_trampoline_lowered:
0x8: {  	[smem:$0x3FAE] =	sst s0  }
0x9: {  	[smem:$0x3FAF] =	sst s1  }
0xa: {  	[smem:$0x3FB0] =	sst s2  }
0xb: {  	[smem:$0x3FB1] =	sst s3  }
0xc: {  	[smem:$0x3FB2] =	sst s4  }
0xd: {  	[smem:$0x3FB3] =	sst s5  }
0xe: {  	[smem:$0x3FB4] =	sst s6  }
0xf: {  	[smem:$0x3FB5] =	sst s7  }
0x10: {  	[smem:$0x3FB6] =	sst s8  }
0x11: {  	[smem:$0x3FB7] =	sst s9;
	s0 =	simm.s32 @!p0 $0x0  }
0x12: {  	s1 =	sld [smem:$0x3F9D];
	s0 =	simm.s32 @p0 $0x1  }
0x13: {  	[smem:$0x3FB8] =	sst s0;
	s0 =	simm.s32 @!p1 $0x0  }
0x14: {  	s2 =	sld [smem:$0x3F9C];
	s0 =	simm.s32 @p1 $0x1  }
0x15: {  	[smem:$0x3FB9] =	sst s0;
	s0 =	simm.s32 @!p2 $0x0  }
0x16: {  	s3 =	sld [smem:$0x3FDB];
	s0 =	simm.s32 @p2 $0x1  }
0x17: {  	s4 =	simm.s32 $0x1BF5;
	[smem:$0x3FBB] =	sst s0  }
0x18: {  	s0 =	sld [smem:$0x3F9E];
	_ =	swait.ge [sflag:s4], $0x0  }
0x19: {  	s7 =	sld [smem:$0x3F9F]  }
0x1a: {  	s8 =	sadd.s32 $0xFFFFE003, lr  }
0x1b: {  	s9 =	sadd.s32 $0xFFFFFEF7, lr;
	s5 =	simm.s32 $0xFFFFFFFF;
	p2 =	slt.u32 s8, $0xFFFFF086  }
0x1c: {  	p1 =	slt.u32 s9, $0xF7A;
	s5 =	simm.s32 @!p2 $0x0  }
0x1d: {  	s5 =	simm.s32 @p1 $0x1;
	p0 =	seq.s32 s7, s2  }
0x1e: {  	s7 =	smul.u32 @!p0 $0xF7A, s2;
	p2 =	seq.s32 @!p0 s5, $0x0  }
0x1f: {  	s9 =	smul.u32 $0xF7A, s1;
	s8 =	simm.s32 @!p0 $0x1BF5;
	p2 =	por !p2, p0  }
0x20: {  	[sflag:s8] =	ssyncset.s32 @!p0 $0xFFFFF086;
	s6 =	sadd.s32 @!p0 s3, s7;
	s7 =	simm.s32 @!p0 $0x108  }
0x21: {  	s3 =	sadd.s32 s3, s9;
	s6 =	sadd.s32 @!p0 $0x88, s6;
	s7 =	simm.s32 @p2 $0x1082  }
0x22: {  	[simem:s7], [sflag:s8] =	dma.local @!p0 [hbm:s6], $0xF7A  }
0x23: {  	s9 =	sor.u32 $0xD0000000, s2;
	s6 =	simm.s32 $0x108;
	_ =	swait.ge @!p0 [sflag:s8], $0x0  }
0x24: {  	s3 =	sadd.s32 $0x88, s3;
	s6 =	simm.s32 @!p1 $0x1082;
	[sflag:s4] =	ssyncset.s32 $0xFFFFF086  }
0x25: {  	[simem:s6], [sflag:s4] =	dma.local [hbm:s3], $0xF7A  }
0x26: {  	[smem:$0x3F9F] =	sst s1;
	(tag) =	ssettag s2;
	_ =	strace s9  }
0x27: {  	s1 =	sld [smem:$0x3FAF]  }
0x28: {  	s2 =	sld [smem:$0x3FB0]  }
0x29: {  	s4 =	sld [smem:$0x3FB2]  }
0x2a: {  	p0 =	seq.s32 s5, $0x0;
	s5 =	sld [smem:$0x3FB3]  }
0x2b: {  	s6 =	sld [smem:$0x3FB4]  }
0x2c: {  	s7 =	sld [smem:$0x3FB5]  }
0x2d: {  	s3 =	simm.s32 $0x108;
	s8 =	sld [smem:$0x3FB6]  }
0x2e: {  	s3 =	simm.s32 @!p0 $0x1082;
	s9 =	sld [smem:$0x3FB7]  }
0x2f: {  	lr =	sadd.s32 s0, s3;
	s0 =	sld [smem:$0x3FAE]  }
0x30: {  	s3 =	sld [smem:$0x3FB1]  }
0x31: {  	[smem:$0x3FBA] =	sst s10  }
0x32: {  	s10 =	sld [smem:$0x3FB8];
	_ =	sdelay $0x3  }
0x33: {  	p0 =	seq.s32 s10, $0x1;
	s10 =	sld [smem:$0x3FBA];
	_ =	sdelay $0x3  }
0x34: {  	[smem:$0x3FBA] =	sst s10  }
0x35: {  	s10 =	sld [smem:$0x3FB9];
	_ =	sdelay $0x3  }
0x36: {  	p1 =	seq.s32 s10, $0x1;
	s10 =	sld [smem:$0x3FBA];
	_ =	sdelay $0x3  }
0x37: {  	[smem:$0x3FBA] =	sst s10  }
0x38: {  	s10 =	sld [smem:$0x3FBB]  }
0x39: {  	_ = 	snop;
	(pc) =	sbr.ind lr, $3  }
0x3a: {  	_ = 	snop  }
0x3b: {  	_ = 	snop  }
0x3c: {  	p2 =	seq.s32 s10, $0x1;
	s10 =	sld [smem:$0x3FBA]  }
0x3d: {  	_ =	shalt  }
0x3e: {  	_ =	shalt  }
0x3f: {  	_ =	shalt  }
0x40: {  	_ =	shalt  }
0x41: {  	_ =	shalt  }
0x42: {  	_ =	shalt  }
0x43: {  	_ =	shalt  }
0x44: {  	_ =	shalt  }
0x45: {  	_ =	shalt  }
0x46: {  	_ =	shalt  }
0x47: {  	_ =	shalt  }
0x48: {  	_ =	shalt  }
0x49: {  	_ =	shalt  }
0x4a: {  	_ =	shalt  }
0x4b: {  	_ =	shalt  }
0x4c: {  	_ =	shalt  }
0x4d: {  	_ =	shalt  }
0x4e: {  	_ =	shalt  }
0x4f: {  	_ =	shalt  }
0x50: {  	_ =	shalt  }
0x51: {  	_ =	shalt  }
0x52: {  	_ =	shalt  }
0x53: {  	_ =	shalt  }
0x54: {  	_ =	shalt  }
0x55: {  	_ =	shalt  }
0x56: {  	_ =	shalt  }
0x57: {  	_ =	shalt  }
0x58: {  	_ =	shalt  }
0x59: {  	_ =	shalt  }
0x5a: {  	_ =	shalt  }
0x5b: {  	_ =	shalt  }
0x5c: {  	_ =	shalt  }
0x5d: {  	_ =	shalt  }
0x5e: {  	_ =	shalt  }
0x5f: {  	_ =	shalt  }
0x60: {  	_ =	shalt  }
0x61: {  	_ =	shalt  }
0x62: {  	_ =	shalt  }
0x63: {  	_ =	shalt  }
0x64: {  	_ =	shalt  }
0x65: {  	_ =	shalt  }
0x66: {  	_ =	shalt  }
0x67: {  	_ =	shalt  }
0x68: {  	_ =	shalt  }
0x69: {  	_ =	shalt  }
0x6a: {  	_ =	shalt  }
0x6b: {  	_ =	shalt  }
0x6c: {  	_ =	shalt  }
0x6d: {  	_ =	shalt  }
0x6e: {  	_ =	shalt  }
0x6f: {  	_ =	shalt  }
0x70: {  	_ =	shalt  }
0x71: {  	_ =	shalt  }
0x72: {  	_ =	shalt  }
0x73: {  	_ =	shalt  }
0x74: {  	_ =	shalt  }
0x75: {  	_ =	shalt  }
0x76: {  	_ =	shalt  }
0x77: {  	_ =	shalt  }
0x78: {  	_ =	shalt  }
0x79: {  	_ =	shalt  }
0x7a: {  	_ =	shalt  }
0x7b: {  	_ =	shalt  }
0x7c: {  	_ =	shalt  }
0x7d: {  	_ =	shalt  }
0x7e: {  	_ =	shalt  }
0x7f: {  	_ =	shalt  }
0x80: {  	_ =	shalt  }
0x81: {  	_ =	shalt  }
0x82: {  	_ =	shalt  }
0x83: {  	_ =	shalt  }
0x84: {  	_ =	shalt  }
0x85: {  	_ =	shalt  }
0x86: {  	_ =	shalt  }
0x87: {  	_ =	shalt  }
.Lfunc_end0:
.L_simem_size_0:
called_computation_lowered:
.L_overlay_start_0:
0x88: {  	s2 =	sld [smem:$0x3FD9]  }
0x89: {  	s3 =	sld [smem:$0x3FFE];
	_ =	sdelay $0x1  }
0x8a: {  	s1 =	srdreg.scid  }
0x8b: {  	s0 =	sand.u32 $0x1, s1  }
0x8c: {  	s18 =	sshll.u32 s0, $0xA;
	s2 =	sadd.s32 s3, s2  }
0x8d: {  	s2 =	sadd.s32 s2, s18  }
0x8e: {  	[smem:$0x3FC6] =	sst s2  }
0x8f: {  	_ = 	snop  }
0x90: {  	s2 =	sld [smem:$0x3FC9]  }
0x91: {  	s19 =	sld [smem:$0x3FC8]  }
0x92: {  	s4 =	sld [smem:$0x3FD0];
	(tm) =	ssettm $0x1  }
0x93: {  	s5 =	sld [smem:$0x3FFB];
	_ =	sdelay $0x3  }
0x94: {  	_ =	strace s5  }
0x95: {  	s5 =	sld [smem:$0x3FFC];
	_ =	sdelay $0x3  }
0x96: {  	_ =	strace s5  }
0x97: {  	s5 =	sld [smem:$0x3FFD];
	_ =	sdelay $0x3  }
0x98: {  	_ =	strace s5  }
0x99: {  	_ =	strace $0x8FFFFFFF  }
0x9a: {  	s20 =	sld [smem:$0x3FDB];
	_ =	sdelay $0x1  }
0x9b: {  	s6 =	simm.s32 $_scs_section_size  }
0x9c: {  	s7 =	simm.s32 $_size__tile_overlayer_lowered;
	s8 =	simm.s32 $_tile_overlayer_lowered  }
0x9d: {  	s23 =	simm.s32 $0x1BFF;
	s22 =	sshll.u32 s8, $0x1;
	s5 =	sadd.s32 s6, s20  }
0x9e: {  	s9 =	simm.s32 $0x0;
	s21 =	sshll.u32 s7, $0x1;
	s7 =	sadd.s32 s22, s5  }
0x9f: {  	[timem:s9], [sflag:s23] =	dma.local [hbm:s7], s21  }
0xa0: {  	_ =	swait.ge [sflag:s23], s21  }
0xa1: {  	s6 =	ssub.s32 $0x0, s21;
	[sflag:s23] =	ssyncset.done $0x0  }
0xa2: {  	[sflag:s23] =	ssyncadd.s32 s6;
	_ =	sdelay $0x1  }
0xa3: {  	s24 =	simm.s32 $0x1B8B  }
0xa4: {  	_ =	swait.ge [sflag:s24], $0x1  }
0xa5: {  	[sflag:s24] =	ssyncset.done $0x0  }
0xa6: {  	s25 =	simm.s32 $0x1B8E;
	[sflag:s24] =	ssyncadd.s32 $0xFFFFFFFF  }
0xa7: {  	s26 =	simm.s32 $execute0_lowered;
	[smem:$0x3FD2] =	sst s25  }
0xa8: {  	s6 =	sshll.u32 s26, $0x1;
	_ =	strace $0x80000046;
	[dreg:$0x1] =	wrdreg $0xFFFFFFFF  }
0xa9: {  	s28 =	simm.s32 $_size_execute0_lowered;
	s5 =	sadd.s32 s5, s6;
	[dreg:$0x0] =	wrdreg $0x0  }
0xaa: {  	s6 =	sshll.u32 s28, $0x1;
	[dreg:$0x2] =	wrdreg s5  }
0xab: {  	[dreg:$0x3] =	wrdreg s6  }
0xac: {  	[dreg:$0x4] =	wrdreg $0xC0  }
0xad: {  	_ =	task [dreg:s9], $0x5FFFF  }
0xae: {  	[dreg:$0x1] =	wrdreg $0xFFFFFFFF  }
0xaf: {  	[dreg:$0x0] =	wrdreg $0x60  }
0xb0: {  	[dreg:$0x2] =	wrdreg s2  }
0xb1: {  	[dreg:$0x3] =	wrdreg s19  }
0xb2: {  	[dreg:$0x4] =	wrdreg s4  }
0xb3: {  	[dreg:$0x5] =	wrdreg $0x9  }
0xb4: {  	_ =	task.clear_ibuf [dreg:s9], $0x6FFFF;
	_ =	strace $0x90000046  }
0xb5: {  	s29 =	simm.s32 $0x9;
	_ =	strace $0x80000048  }
0xb6: {  	_ =	swait.ge [sflag:s29], $0x1  }
0xb7: {  	[sflag:s29] =	ssyncadd.s32 $0xFFFFFFFF  }
0xb8: {  	_ =	strace $0x90000048  }
0xb9: {  	_ =	sfence  }
0xba: {  	s30 =	sld [smem:$0x0];
	_ =	sdelay $0x2  }
0xbb: {  	s31 =	sshll.u32 s1, $0xD;
	s1 =	sshrl.u32 s1, $0x2  }
0xbc: {  	s3 =	sand.u32 $0x4000, s31;
	s1 =	sadd.s32 s1, s30  }
0xbd: {  	s0 =	sor.u32 s3, s0;
	s1 =	sshll.u32 s1, $0x11  }
0xbe: {  	s0 =	sor.u32 s1, s0  }
0xbf: {  	s0 =	sadd.s32 $0x8F2B, s0  }
0xc0: {  	[sflag:s0] =	ssyncadd.remote.s32 $0x1  }
0xc1: {  	_ =	sfence.sel $0xFFFF  }
0xc2: {  	[dreg:$0x0] =	wrdreg $0xFFFFFFFF;
	(pc) =	sbr.abs _section_cstart, $3  }
0xc3: {  	[dreg:$0x1] =	wrdreg $0xFFFFFFFF  }
0xc4: {  	_ =	task.clear_ibuf [dreg:s9], $0x2FFFF;
	_ =	strace $0x9FFFFFFF  }
0xc5: {  	(tm) =	ssettm $0x7FFFFFFF  }
tec
execute0_lowered:
.L_overlay_start_1:
0x0: {  	(tag) =	ssettag $0x1  }
0x1: {  	s0 =	rddreg [dreg:$0x0]  }
0x2: {  	s1 =	rddreg [dreg:$0x1]  }
0x3: {  	s2 =	rddreg [dreg:$0x2]  }
0x4: {  	s3 =	simm.s32 $0x0;
	s12 =	stileid.u32;
	s4 =	srdreg.scid  }
0x5: {  	s31 =	simm.s32 $0x8200;
	s29 =	simm.s32 $0x10A00;
	s30 =	simm.s32 $0x11A00  }
0x6: {  	s15 =	simm.s32 $0x3;
	s28 =	simm.s32 $0x6;
	[smem:$0x7FF] =	sst s3  }
0x7: {  	s5 =	sshll.u32 s12, $0x1;
	s4 =	sand.u32 $0x1, s4;
	s9 =	sshrl.u32 s12, $0x2  }
0x8: {  	s12 =	sand.u32 $0x3, s12;
	_ =	strace $0x80000047;
	s5 =	sand.u32 $0x6, s5  }
0x9: {  	s6 =	ssub.s32 $0x2, s4;
	s18 =	sshll.u32 s9, $0x4;
	s19 =	sshll.u32 s9, $0x17  }
0xa: {  	s9 =	sadd.s32 $0x500, s1;
	s12 =	sshll.u32 s12, $0x15;
	s10 =	sor.u32 s4, s5  }
0xb: {  	s7 =	sshrl.u32 s6, $0x1;
	s0 =	sadd.s32 s0, s18;
	s5 =	sadd.s32 $0x100, s1  }
0xc: {  	s4 =	sshll.u32 s4, $0x14;
	s18 =	simm.s32 $0x14200;
	s8 =	sshll.u32 s10, $0x8  }
0xd: {  	s11 =	ssub.s32 s6, s7;
	s6 =	sadd.s32 $0x200, s1;
	s7 =	sadd.s32 $0x300, s1  }
0xe: {  	s10 =	sshll.u32 s10, $0x14;
	s0 =	sadd.s32 s8, s0;
	s8 =	sadd.s32 $0x400, s1  }
0xf: {  	s10 =	sor.u32 s19, s10;
	s26 =	smax.u32 s11, $0x1;
	s11 =	simm.s32 $0x11200  }
0x10: {  	[dreg:$0x7] =	wrdreg s0;
	s13 =	sshrl.u32 s10, $0x3;
	s0 =	sor.u32 s12, s19  }
0x11: {  	s10 =	sadd.s32 $0x600, s1;
	s12 =	sadd.s32 $0x700, s1;
	[dreg:$0xd] =	wrdreg s26  }
0x12: {  	s19 =	simm.s32 $0x15A00;
	s14 =	sadd.s32 s2, s13;
	s0 =	sor.u32 s4, s0  }
0x13: {  	s26 =	simm.s32 $0x5;
	s20 =	sadd.s32 $0x1C000, s14;
	s21 =	sor.u32 $0x18000, s0  }
0x14: {  	s13 =	sadd.s32 $0x1D000, s14;
	s22 =	sor.u32 $0x10000, s0;
	[dreg:$0x8] =	wrdreg s14  }
0x15: {  	s0 =	sor.u32 $0x8000, s0;
	s24 =	sadd.s32 $0x1E000, s14;
	[dreg:$0x9] =	wrdreg s20  }
0x16: {  	s25 =	sadd.s32 $0x1F000, s14;
	s14 =	simm.s32 $0x0;
	[dreg:$0xa] =	wrdreg s13  }
0x17: {  	s4 =	sshrl.u32 s21, $0x3;
	s13 =	sshrl.u32 s22, $0x3;
	[dreg:$0xb] =	wrdreg s24  }
0x18: {  	s0 =	sshrl.u32 s0, $0x3;
	[dreg:$0xc] =	wrdreg s25;
	s20 =	simm.s32 $0x12200  }
0x19: {  	s21 =	simm.s32 $0x12A00;
	s22 =	simm.s32 $0x13A00;
	s4 =	sadd.s32 s4, s2  }
0x1a: {  	s24 =	simm.s32 $0x1;
	s23 =	sadd.s32 s13, s2;
	[dreg:$0x4] =	wrdreg s4  }
0x1b: {  	v2 =	vlaneseq.u32;
	s25 =	simm.s32 $0x4;
	s0 =	sadd.s32 s0, s2;
	[dreg:$0x5] =	wrdreg s23  }
0x1c: {  	vm0 =	vmmov $0xffff;
	v1 =	vshrl.u32 v2, $0x3;
	s2 =	simm.s32 $0x13200;
	s13 =	simm.s32 $0x2;
	[dreg:$0x6] =	wrdreg s0  }
0x1d: {  	v0 =	vand.u32 $0x7, v2;
	v2 =	vor.u32 $0x8, v2;
	v1 =	vmul.u32 $0x8, v1;
	s0 =	simm.s32 $0x10200;
	s23 =	simm.s32 $0x14A00;
	s4 =	simm.s32 $0x15200  }
.LBB2_1:
0x1e: {  	[dreg:$0xe] =	wrdreg s14  }
0x1f: {  	s16 =	rddreg [dreg:$0x7];
	s17 =	simm.s32 $0x80;
	s14 =	simm.s32 $0x200  }
0x20: {  	[tilespmem:s3], [sflag:$0x7] =	stream.strided.gather [hbm4b:s16+s17], $0x200, s14, s17, $0x38;
	[tilespmem:$0x18200] =	vst v63  }
0x21: {  	s17 =	simm.s32 $0x7  }
0x22: {  	_ =	swait.ge [sflag:s17], $0x200  }
0x23: {  	[sflag:s17] =	ssyncset.done $0x0  }
0x24: {  	[sflag:s17] =	ssyncadd.s32 $0xFFFFFE00  }
0x25: {  	v3 =	vld [tilespmem:$0x0];
	_ =	sdelay $0x4  }
0x26: {  	v4 =	vshll.u32 v3, $0x4  }
0x27: {  	v3 =	vand.u32 $0x7, v3;
	v4 =	vand.u32 $0xFFFFFF80, v4  }
0x28: {  	v3 =	vor.u32 v3, v4  }
0x29: {  	v4 =	vperm.xlane v3, v0;
	_ =	sdelay $0x1  }
0x2a: {  	v4 =	vadd.s32 v1, v4;
	_ =	sdelay $0x4  }
0x2b: {  	[tilespmem:s14], [sflag:$0x1] =	stream.indirect_vreg.gather [hbm4b:s1+s3], $0x80, v4, vm0, $0xb8;
	[tilespmem:$0x18200] =	vst v63  }
0x2c: {  	s17 =	simm.s32 $0xA00  }
0x2d: {  	[tilespmem:s17], [sflag:$0x1] =	stream.indirect_vreg.gather [hbm4b:s5+s3], $0x80, v4, vm0, $0xb8;
	[tilespmem:$0x18200] =	vst v63  }
0x2e: {  	s17 =	simm.s32 $0x1200  }
0x2f: {  	[tilespmem:s17], [sflag:$0x1] =	stream.indirect_vreg.gather [hbm4b:s6+s3], $0x80, v4, vm0, $0xb8;
	[tilespmem:$0x18200] =	vst v63  }
0x30: {  	s17 =	simm.s32 $0x1A00  }
0x31: {  	[tilespmem:s17], [sflag:$0x1] =	stream.indirect_vreg.gather [hbm4b:s7+s3], $0x80, v4, vm0, $0xb8;
	[tilespmem:$0x18200] =	vst v63  }
0x32: {  	s17 =	simm.s32 $0x2200  }
0x33: {  	[tilespmem:s17], [sflag:$0x1] =	stream.indirect_vreg.gather [hbm4b:s8+s3], $0x80, v4, vm0, $0xb8;
	[tilespmem:$0x18200] =	vst v63  }
0x34: {  	v3 =	vperm.xlane v3, v2;
	s17 =	simm.s32 $0x2A00  }
0x35: {  	[tilespmem:s17], [sflag:$0x1] =	stream.indirect_vreg.gather [hbm4b:s9+s3], $0x80, v4, vm0, $0xb8;
	[tilespmem:$0x18200] =	vst v63  }
0x36: {  	v3 =	vadd.s32 v1, v3;
	s17 =	simm.s32 $0x3200  }
0x37: {  	[tilespmem:s17], [sflag:$0x1] =	stream.indirect_vreg.gather [hbm4b:s10+s3], $0x80, v4, vm0, $0xb8;
	[tilespmem:$0x18200] =	vst v63  }
0x38: {  	s17 =	simm.s32 $0x3A00  }
0x39: {  	[tilespmem:s17], [sflag:$0x1] =	stream.indirect_vreg.gather [hbm4b:s12+s3], $0x80, v4, vm0, $0xb8;
	[tilespmem:$0x18200] =	vst v63  }
0x3a: {  	s17 =	simm.s32 $0x4200  }
0x3b: {  	[tilespmem:s17], [sflag:$0x1] =	stream.indirect_vreg.gather [hbm4b:s1+s3], $0x80, v3, vm0, $0xb8;
	[tilespmem:$0x18200] =	vst v63  }
0x3c: {  	s17 =	simm.s32 $0x4A00  }
0x3d: {  	[tilespmem:s17], [sflag:$0x1] =	stream.indirect_vreg.gather [hbm4b:s5+s3], $0x80, v3, vm0, $0xb8;
	[tilespmem:$0x18200] =	vst v63  }
0x3e: {  	s17 =	simm.s32 $0x5200  }
0x3f: {  	[tilespmem:s17], [sflag:$0x1] =	stream.indirect_vreg.gather [hbm4b:s6+s3], $0x80, v3, vm0, $0xb8;
	[tilespmem:$0x18200] =	vst v63  }
0x40: {  	s17 =	simm.s32 $0x5A00  }
0x41: {  	[tilespmem:s17], [sflag:$0x1] =	stream.indirect_vreg.gather [hbm4b:s7+s3], $0x80, v3, vm0, $0xb8;
	[tilespmem:$0x18200] =	vst v63  }
0x42: {  	s17 =	simm.s32 $0x6200  }
0x43: {  	[tilespmem:s17], [sflag:$0x1] =	stream.indirect_vreg.gather [hbm4b:s8+s3], $0x80, v3, vm0, $0xb8;
	[tilespmem:$0x18200] =	vst v63  }
0x44: {  	s17 =	simm.s32 $0x6A00  }
0x45: {  	[tilespmem:s17], [sflag:$0x1] =	stream.indirect_vreg.gather [hbm4b:s9+s3], $0x80, v3, vm0, $0xb8;
	[tilespmem:$0x18200] =	vst v63  }
0x46: {  	s17 =	simm.s32 $0x7200  }
0x47: {  	[tilespmem:s17], [sflag:$0x1] =	stream.indirect_vreg.gather [hbm4b:s10+s3], $0x80, v3, vm0, $0xb8;
	[tilespmem:$0x18200] =	vst v63  }
0x48: {  	s17 =	simm.s32 $0x7A00  }
0x49: {  	[tilespmem:s17], [sflag:$0x1] =	stream.indirect_vreg.gather [hbm4b:s12+s3], $0x80, v3, vm0, $0xb8;
	[tilespmem:$0x18200] =	vst v63  }
0x4a: {  	v3 =	vld [tilespmem:$0x10];
	_ =	sdelay $0x4  }
0x4b: {  	v62 =	vshll.u32 v3, $0x4  }
0x4c: {  	v3 =	vand.u32 $0x7, v3;
	v4 =	vand.u32 $0xFFFFFF80, v62  }
0x4d: {  	v3 =	vor.u32 v3, v4  }
0x4e: {  	v4 =	vperm.xlane v3, v0;
	_ =	sdelay $0x1  }
0x4f: {  	v4 =	vadd.s32 v1, v4;
	_ =	sdelay $0x4  }
0x50: {  	[tilespmem:s31], [sflag:$0x2] =	stream.indirect_vreg.gather [hbm4b:s1+s3], $0x80, v4, vm0, $0xb8;
	[tilespmem:$0x18200] =	vst v63  }
0x51: {  	s17 =	simm.s32 $0x8A00  }
0x52: {  	[tilespmem:s17], [sflag:$0x2] =	stream.indirect_vreg.gather [hbm4b:s5+s3], $0x80, v4, vm0, $0xb8;
	[tilespmem:$0x18200] =	vst v63  }
0x53: {  	s17 =	simm.s32 $0x9200  }
0x54: {  	[tilespmem:s17], [sflag:$0x2] =	stream.indirect_vreg.gather [hbm4b:s6+s3], $0x80, v4, vm0, $0xb8;
	[tilespmem:$0x18200] =	vst v63  }
0x55: {  	s17 =	simm.s32 $0x9A00  }
0x56: {  	[tilespmem:s17], [sflag:$0x2] =	stream.indirect_vreg.gather [hbm4b:s7+s3], $0x80, v4, vm0, $0xb8;
	[tilespmem:$0x18200] =	vst v63  }
0x57: {  	s17 =	simm.s32 $0xA200  }
0x58: {  	[tilespmem:s17], [sflag:$0x2] =	stream.indirect_vreg.gather [hbm4b:s8+s3], $0x80, v4, vm0, $0xb8;
	[tilespmem:$0x18200] =	vst v63  }
0x59: {  	v3 =	vperm.xlane v3, v2;
	s17 =	simm.s32 $0xAA00  }
0x5a: {  	[tilespmem:s17], [sflag:$0x2] =	stream.indirect_vreg.gather [hbm4b:s9+s3], $0x80, v4, vm0, $0xb8;
	[tilespmem:$0x18200] =	vst v63  }
0x5b: {  	v3 =	vadd.s32 v1, v3;
	s17 =	simm.s32 $0xB200  }
0x5c: {  	[tilespmem:s17], [sflag:$0x2] =	stream.indirect_vreg.gather [hbm4b:s10+s3], $0x80, v4, vm0, $0xb8;
	[tilespmem:$0x18200] =	vst v63  }
0x5d: {  	s17 =	simm.s32 $0xBA00  }
0x5e: {  	[tilespmem:s17], [sflag:$0x2] =	stream.indirect_vreg.gather [hbm4b:s12+s3], $0x80, v4, vm0, $0xb8;
	[tilespmem:$0x18200] =	vst v63  }
0x5f: {  	s17 =	simm.s32 $0xC200  }
0x60: {  	[tilespmem:s17], [sflag:$0x2] =	stream.indirect_vreg.gather [hbm4b:s1+s3], $0x80, v3, vm0, $0xb8;
	[tilespmem:$0x18200] =	vst v63  }
0x61: {  	s17 =	simm.s32 $0xCA00  }
0x62: {  	[tilespmem:s17], [sflag:$0x2] =	stream.indirect_vreg.gather [hbm4b:s5+s3], $0x80, v3, vm0, $0xb8;
	[tilespmem:$0x18200] =	vst v63  }
0x63: {  	s17 =	simm.s32 $0xD200  }
0x64: {  	[tilespmem:s17], [sflag:$0x2] =	stream.indirect_vreg.gather [hbm4b:s6+s3], $0x80, v3, vm0, $0xb8;
	[tilespmem:$0x18200] =	vst v63  }
0x65: {  	s17 =	simm.s32 $0xDA00  }
0x66: {  	[tilespmem:s17], [sflag:$0x2] =	stream.indirect_vreg.gather [hbm4b:s7+s3], $0x80, v3, vm0, $0xb8;
	[tilespmem:$0x18200] =	vst v63  }
0x67: {  	s17 =	simm.s32 $0xE200  }
0x68: {  	[tilespmem:s17], [sflag:$0x2] =	stream.indirect_vreg.gather [hbm4b:s8+s3], $0x80, v3, vm0, $0xb8;
	[tilespmem:$0x18200] =	vst v63  }
0x69: {  	s17 =	simm.s32 $0xEA00  }
0x6a: {  	[tilespmem:s17], [sflag:$0x2] =	stream.indirect_vreg.gather [hbm4b:s9+s3], $0x80, v3, vm0, $0xb8;
	[tilespmem:$0x18200] =	vst v63  }
0x6b: {  	s17 =	simm.s32 $0xF200  }
0x6c: {  	[tilespmem:s17], [sflag:$0x2] =	stream.indirect_vreg.gather [hbm4b:s10+s3], $0x80, v3, vm0, $0xb8;
	[tilespmem:$0x18200] =	vst v63  }
0x6d: {  	s17 =	simm.s32 $0xFA00  }
0x6e: {  	[tilespmem:s17], [sflag:$0x2] =	stream.indirect_vreg.gather [hbm4b:s12+s3], $0x80, v3, vm0, $0xb8;
	[tilespmem:$0x18200] =	vst v63  }
0x6f: {  	v3 =	vld [tilespmem:$0x20];
	_ =	sdelay $0x4  }
0x70: {  	v63 =	vshll.u32 v3, $0x4  }
0x71: {  	v3 =	vand.u32 $0x7, v3;
	v4 =	vand.u32 $0xFFFFFF80, v63  }
0x72: {  	v3 =	vor.u32 v3, v4  }
0x73: {  	v4 =	vperm.xlane v3, v0;
	_ =	sdelay $0x1  }
0x74: {  	v4 =	vadd.s32 v1, v4;
	_ =	sdelay $0x4  }
0x75: {  	[tilespmem:s0], [sflag:$0x3] =	stream.indirect_vreg.gather [hbm4b:s1+s3], $0x80, v4, vm0, $0xb8;
	[tilespmem:$0x18200] =	vst v63  }
0x76: {  	_ = 	snop  }
0x77: {  	[tilespmem:s29], [sflag:$0x3] =	stream.indirect_vreg.gather [hbm4b:s5+s3], $0x80, v4, vm0, $0xb8;
	[tilespmem:$0x18200] =	vst v63  }
0x78: {  	_ = 	snop  }
0x79: {  	[tilespmem:s11], [sflag:$0x3] =	stream.indirect_vreg.gather [hbm4b:s6+s3], $0x80, v4, vm0, $0xb8;
	[tilespmem:$0x18200] =	vst v63  }
0x7a: {  	_ = 	snop  }
0x7b: {  	[tilespmem:s30], [sflag:$0x3] =	stream.indirect_vreg.gather [hbm4b:s7+s3], $0x80, v4, vm0, $0xb8;
	[tilespmem:$0x18200] =	vst v63  }
0x7c: {  	_ = 	snop  }
0x7d: {  	[tilespmem:s20], [sflag:$0x3] =	stream.indirect_vreg.gather [hbm4b:s8+s3], $0x80, v4, vm0, $0xb8;
	[tilespmem:$0x18200] =	vst v63  }
0x7e: {  	v3 =	vperm.xlane v3, v2  }
0x7f: {  	[tilespmem:s21], [sflag:$0x3] =	stream.indirect_vreg.gather [hbm4b:s9+s3], $0x80, v4, vm0, $0xb8;
	[tilespmem:$0x18200] =	vst v63  }
0x80: {  	v3 =	vadd.s32 v1, v3  }
0x81: {  	[tilespmem:s2], [sflag:$0x3] =	stream.indirect_vreg.gather [hbm4b:s10+s3], $0x80, v4, vm0, $0xb8;
	[tilespmem:$0x18200] =	vst v63  }
0x82: {  	_ = 	snop  }
0x83: {  	[tilespmem:s22], [sflag:$0x3] =	stream.indirect_vreg.gather [hbm4b:s12+s3], $0x80, v4, vm0, $0xb8;
	[tilespmem:$0x18200] =	vst v63  }
0x84: {  	_ = 	snop  }
0x85: {  	[tilespmem:s18], [sflag:$0x3] =	stream.indirect_vreg.gather [hbm4b:s1+s3], $0x80, v3, vm0, $0xb8;
	[tilespmem:$0x18200] =	vst v63  }
0x86: {  	_ = 	snop  }
0x87: {  	[tilespmem:s23], [sflag:$0x3] =	stream.indirect_vreg.gather [hbm4b:s5+s3], $0x80, v3, vm0, $0xb8;
	[tilespmem:$0x18200] =	vst v63  }
0x88: {  	_ = 	snop  }
0x89: {  	[tilespmem:s4], [sflag:$0x3] =	stream.indirect_vreg.gather [hbm4b:s6+s3], $0x80, v3, vm0, $0xb8;
	[tilespmem:$0x18200] =	vst v63  }
0x8a: {  	_ = 	snop  }
0x8b: {  	[tilespmem:s19], [sflag:$0x3] =	stream.indirect_vreg.gather [hbm4b:s7+s3], $0x80, v3, vm0, $0xb8;
	[tilespmem:$0x18200] =	vst v63  }
0x8c: {  	s19 =	simm.s32 $0x16200  }
0x8d: {  	[tilespmem:s19], [sflag:$0x3] =	stream.indirect_vreg.gather [hbm4b:s8+s3], $0x80, v3, vm0, $0xb8;
	[tilespmem:$0x18200] =	vst v63  }
0x8e: {  	s20 =	simm.s32 $0x16A00  }
0x8f: {  	[tilespmem:s20], [sflag:$0x3] =	stream.indirect_vreg.gather [hbm4b:s9+s3], $0x80, v3, vm0, $0xb8;
	[tilespmem:$0x18200] =	vst v63  }
0x90: {  	s16 =	simm.s32 $0x50;
	s31 =	simm.s32 $0x11A00;
	s21 =	simm.s32 $0x17200  }
0x91: {  	[tilespmem:s21], [sflag:$0x3] =	stream.indirect_vreg.gather [hbm4b:s10+s3], $0x80, v3, vm0, $0xb8;
	[tilespmem:$0x18200] =	vst v63  }
0x92: {  	s29 =	simm.s32 $0x0;
	s30 =	simm.s32 $0x10A00;
	s22 =	simm.s32 $0x17A00  }
0x93: {  	[tilespmem:s22], [sflag:$0x3] =	stream.indirect_vreg.gather [hbm4b:s12+s3], $0x80, v3, vm0, $0xb8;
	[tilespmem:$0x18200] =	vst v63  }
0x94: {  	s2 =	simm.s32 $0x13200;
	s18 =	simm.s32 $0x14200;
	_ =	swait.ge [sflag:s24], $0x8000  }
0x95: {  	s4 =	simm.s32 $0x15200;
	s19 =	simm.s32 $0x15A00;
	[sflag:s24] =	ssyncset.done $0x0  }
0x96: {  	s20 =	simm.s32 $0x12200;
	s23 =	rddreg [dreg:$0x8];
	[sflag:s24] =	ssyncadd.s32 $0xFFFF8000  }
0x97: {  	[hbm4b:s23+s3] =	stream.linear.scatter [tilespmem:s14], [sflag:$0x4], $0x8000, $0x38;
	[tilespmem:$0x18200] =	vst v63  }
0x98: {  	s21 =	simm.s32 $0x12A00;
	s22 =	simm.s32 $0x13A00;
	s23 =	simm.s32 $0x14A00  }
.LBB2_2:
0x99: {  	_ =	swait.ge [sflag:s25], $0x8000  }
0x9a: {  	[sflag:s25] =	ssyncset.done $0x0  }
0x9b: {  	[sflag:s25] =	ssyncadd.s32 $0xFFFF8000  }
0x9c: {  	v3 =	vld [tilespmem:s16+$0xFFFFFFE0];
	_ =	sdelay $0x4  }
0x9d: {  	v4 =	vshll.u32 v3, $0x4  }
0x9e: {  	v3 =	vand.u32 $0x7, v3;
	v4 =	vand.u32 $0xFFFFFF80, v4  }
0x9f: {  	v3 =	vor.u32 v3, v4  }
0xa0: {  	v4 =	vperm.xlane v3, v0;
	_ =	sdelay $0x1  }
0xa1: {  	v4 =	vadd.s32 v1, v4;
	_ =	sdelay $0x3  }
0xa2: {  	s14 =	simm.s32 $0x200  }
0xa3: {  	[tilespmem:s14], [sflag:$0x1] =	stream.indirect_vreg.gather [hbm4b:s1+s3], $0x80, v4, vm0, $0xb8;
	[tilespmem:$0x18200] =	vst v63  }
0xa4: {  	s17 =	simm.s32 $0xA00  }
0xa5: {  	[tilespmem:s17], [sflag:$0x1] =	stream.indirect_vreg.gather [hbm4b:s5+s3], $0x80, v4, vm0, $0xb8;
	[tilespmem:$0x18200] =	vst v63  }
0xa6: {  	s11 =	simm.s32 $0x1200  }
0xa7: {  	[tilespmem:s11], [sflag:$0x1] =	stream.indirect_vreg.gather [hbm4b:s6+s3], $0x80, v4, vm0, $0xb8;
	[tilespmem:$0x18200] =	vst v63  }
0xa8: {  	s0 =	simm.s32 $0x1A00  }
0xa9: {  	[tilespmem:s0], [sflag:$0x1] =	stream.indirect_vreg.gather [hbm4b:s7+s3], $0x80, v4, vm0, $0xb8;
	[tilespmem:$0x18200] =	vst v63  }
0xaa: {  	s11 =	simm.s32 $0x2200  }
0xab: {  	[tilespmem:s11], [sflag:$0x1] =	stream.indirect_vreg.gather [hbm4b:s8+s3], $0x80, v4, vm0, $0xb8;
	[tilespmem:$0x18200] =	vst v63  }
0xac: {  	v3 =	vperm.xlane v3, v2;
	s0 =	simm.s32 $0x2A00  }
0xad: {  	[tilespmem:s0], [sflag:$0x1] =	stream.indirect_vreg.gather [hbm4b:s9+s3], $0x80, v4, vm0, $0xb8;
	[tilespmem:$0x18200] =	vst v63  }
0xae: {  	v3 =	vadd.s32 v1, v3;
	s11 =	simm.s32 $0x3200  }
0xaf: {  	[tilespmem:s11], [sflag:$0x1] =	stream.indirect_vreg.gather [hbm4b:s10+s3], $0x80, v4, vm0, $0xb8;
	[tilespmem:$0x18200] =	vst v63  }
0xb0: {  	s0 =	simm.s32 $0x3A00  }
0xb1: {  	[tilespmem:s0], [sflag:$0x1] =	stream.indirect_vreg.gather [hbm4b:s12+s3], $0x80, v4, vm0, $0xb8;
	[tilespmem:$0x18200] =	vst v63  }
0xb2: {  	s11 =	simm.s32 $0x4200  }
0xb3: {  	[tilespmem:s11], [sflag:$0x1] =	stream.indirect_vreg.gather [hbm4b:s1+s3], $0x80, v3, vm0, $0xb8;
	[tilespmem:$0x18200] =	vst v63  }
0xb4: {  	s0 =	simm.s32 $0x4A00  }
0xb5: {  	[tilespmem:s0], [sflag:$0x1] =	stream.indirect_vreg.gather [hbm4b:s5+s3], $0x80, v3, vm0, $0xb8;
	[tilespmem:$0x18200] =	vst v63  }
0xb6: {  	s11 =	simm.s32 $0x5200  }
0xb7: {  	[tilespmem:s11], [sflag:$0x1] =	stream.indirect_vreg.gather [hbm4b:s6+s3], $0x80, v3, vm0, $0xb8;
	[tilespmem:$0x18200] =	vst v63  }
0xb8: {  	s0 =	simm.s32 $0x5A00  }
0xb9: {  	[tilespmem:s0], [sflag:$0x1] =	stream.indirect_vreg.gather [hbm4b:s7+s3], $0x80, v3, vm0, $0xb8;
	[tilespmem:$0x18200] =	vst v63  }
0xba: {  	s11 =	simm.s32 $0x6200  }
0xbb: {  	[tilespmem:s11], [sflag:$0x1] =	stream.indirect_vreg.gather [hbm4b:s8+s3], $0x80, v3, vm0, $0xb8;
	[tilespmem:$0x18200] =	vst v63  }
0xbc: {  	s0 =	simm.s32 $0x6A00  }
0xbd: {  	[tilespmem:s0], [sflag:$0x1] =	stream.indirect_vreg.gather [hbm4b:s9+s3], $0x80, v3, vm0, $0xb8;
	[tilespmem:$0x18200] =	vst v63  }
0xbe: {  	s11 =	simm.s32 $0x7200  }
0xbf: {  	[tilespmem:s11], [sflag:$0x1] =	stream.indirect_vreg.gather [hbm4b:s10+s3], $0x80, v3, vm0, $0xb8;
	[tilespmem:$0x18200] =	vst v63  }
0xc0: {  	s0 =	simm.s32 $0x7A00  }
0xc1: {  	[tilespmem:s0], [sflag:$0x1] =	stream.indirect_vreg.gather [hbm4b:s12+s3], $0x80, v3, vm0, $0xb8;
	[tilespmem:$0x18200] =	vst v63  }
0xc2: {  	_ =	swait.ge [sflag:s13], $0x8000  }
0xc3: {  	s11 =	rddreg [dreg:$0x6];
	[sflag:s13] =	ssyncset.done $0x0  }
0xc4: {  	s0 =	simm.s32 $0x8200;
	[sflag:s13] =	ssyncadd.s32 $0xFFFF8000;
	s17 =	sadd.s32 s29, s11  }
0xc5: {  	[hbm4b:s17+s3] =	stream.linear.scatter [tilespmem:s0], [sflag:$0x5], $0x8000, $0x38;
	[tilespmem:$0x18200] =	vst v63  }
0xc6: {  	_ =	swait.ge [sflag:s26], $0x8000  }
0xc7: {  	[sflag:s26] =	ssyncset.done $0x0  }
0xc8: {  	[sflag:s26] =	ssyncadd.s32 $0xFFFF8000  }
0xc9: {  	v3 =	vld [tilespmem:s16+$0xFFFFFFF0];
	_ =	sdelay $0x4  }
0xca: {  	v62 =	vshll.u32 v3, $0x4  }
0xcb: {  	v3 =	vand.u32 $0x7, v3;
	v4 =	vand.u32 $0xFFFFFF80, v62  }
0xcc: {  	v3 =	vor.u32 v3, v4  }
0xcd: {  	v4 =	vperm.xlane v3, v0;
	_ =	sdelay $0x1  }
0xce: {  	v4 =	vadd.s32 v1, v4;
	_ =	sdelay $0x4  }
0xcf: {  	[tilespmem:s0], [sflag:$0x2] =	stream.indirect_vreg.gather [hbm4b:s1+s3], $0x80, v4, vm0, $0xb8;
	[tilespmem:$0x18200] =	vst v63  }
0xd0: {  	s0 =	simm.s32 $0x8A00  }
0xd1: {  	[tilespmem:s0], [sflag:$0x2] =	stream.indirect_vreg.gather [hbm4b:s5+s3], $0x80, v4, vm0, $0xb8;
	[tilespmem:$0x18200] =	vst v63  }
0xd2: {  	s11 =	simm.s32 $0x9200  }
0xd3: {  	[tilespmem:s11], [sflag:$0x2] =	stream.indirect_vreg.gather [hbm4b:s6+s3], $0x80, v4, vm0, $0xb8;
	[tilespmem:$0x18200] =	vst v63  }
0xd4: {  	s0 =	simm.s32 $0x9A00  }
0xd5: {  	[tilespmem:s0], [sflag:$0x2] =	stream.indirect_vreg.gather [hbm4b:s7+s3], $0x80, v4, vm0, $0xb8;
	[tilespmem:$0x18200] =	vst v63  }
0xd6: {  	s11 =	simm.s32 $0xA200  }
0xd7: {  	[tilespmem:s11], [sflag:$0x2] =	stream.indirect_vreg.gather [hbm4b:s8+s3], $0x80, v4, vm0, $0xb8;
	[tilespmem:$0x18200] =	vst v63  }
0xd8: {  	v3 =	vperm.xlane v3, v2;
	s0 =	simm.s32 $0xAA00  }
0xd9: {  	[tilespmem:s0], [sflag:$0x2] =	stream.indirect_vreg.gather [hbm4b:s9+s3], $0x80, v4, vm0, $0xb8;
	[tilespmem:$0x18200] =	vst v63  }
0xda: {  	v3 =	vadd.s32 v1, v3;
	s11 =	simm.s32 $0xB200  }
0xdb: {  	[tilespmem:s11], [sflag:$0x2] =	stream.indirect_vreg.gather [hbm4b:s10+s3], $0x80, v4, vm0, $0xb8;
	[tilespmem:$0x18200] =	vst v63  }
0xdc: {  	s0 =	simm.s32 $0xBA00  }
0xdd: {  	[tilespmem:s0], [sflag:$0x2] =	stream.indirect_vreg.gather [hbm4b:s12+s3], $0x80, v4, vm0, $0xb8;
	[tilespmem:$0x18200] =	vst v63  }
0xde: {  	s11 =	simm.s32 $0xC200  }
0xdf: {  	[tilespmem:s11], [sflag:$0x2] =	stream.indirect_vreg.gather [hbm4b:s1+s3], $0x80, v3, vm0, $0xb8;
	[tilespmem:$0x18200] =	vst v63  }
0xe0: {  	s0 =	simm.s32 $0xCA00  }
0xe1: {  	[tilespmem:s0], [sflag:$0x2] =	stream.indirect_vreg.gather [hbm4b:s5+s3], $0x80, v3, vm0, $0xb8;
	[tilespmem:$0x18200] =	vst v63  }
0xe2: {  	s11 =	simm.s32 $0xD200  }
0xe3: {  	[tilespmem:s11], [sflag:$0x2] =	stream.indirect_vreg.gather [hbm4b:s6+s3], $0x80, v3, vm0, $0xb8;
	[tilespmem:$0x18200] =	vst v63  }
0xe4: {  	s0 =	simm.s32 $0xDA00  }
0xe5: {  	[tilespmem:s0], [sflag:$0x2] =	stream.indirect_vreg.gather [hbm4b:s7+s3], $0x80, v3, vm0, $0xb8;
	[tilespmem:$0x18200] =	vst v63  }
0xe6: {  	s11 =	simm.s32 $0xE200  }
0xe7: {  	[tilespmem:s11], [sflag:$0x2] =	stream.indirect_vreg.gather [hbm4b:s8+s3], $0x80, v3, vm0, $0xb8;
	[tilespmem:$0x18200] =	vst v63  }
0xe8: {  	s0 =	simm.s32 $0xEA00  }
0xe9: {  	[tilespmem:s0], [sflag:$0x2] =	stream.indirect_vreg.gather [hbm4b:s9+s3], $0x80, v3, vm0, $0xb8;
	[tilespmem:$0x18200] =	vst v63  }
0xea: {  	s11 =	simm.s32 $0xF200  }
0xeb: {  	[tilespmem:s11], [sflag:$0x2] =	stream.indirect_vreg.gather [hbm4b:s10+s3], $0x80, v3, vm0, $0xb8;
	[tilespmem:$0x18200] =	vst v63  }
0xec: {  	s0 =	simm.s32 $0xFA00  }
0xed: {  	[tilespmem:s0], [sflag:$0x2] =	stream.indirect_vreg.gather [hbm4b:s12+s3], $0x80, v3, vm0, $0xb8;
	[tilespmem:$0x18200] =	vst v63  }
0xee: {  	_ =	swait.ge [sflag:s15], $0x8000  }
0xef: {  	s11 =	rddreg [dreg:$0x5];
	[sflag:s15] =	ssyncset.done $0x0  }
0xf0: {  	[sflag:s15] =	ssyncadd.s32 $0xFFFF8000;
	s17 =	sadd.s32 s29, s11;
	s11 =	simm.s32 $0x10200  }
0xf1: {  	[hbm4b:s17+s3] =	stream.linear.scatter [tilespmem:s11], [sflag:$0x6], $0x8000, $0x38;
	[tilespmem:$0x18200] =	vst v63  }
0xf2: {  	_ =	swait.ge [sflag:s28], $0x8000  }
0xf3: {  	[sflag:s28] =	ssyncset.done $0x0  }
0xf4: {  	[sflag:s28] =	ssyncadd.s32 $0xFFFF8000  }
0xf5: {  	v3 =	vld [tilespmem:s16+$0x0];
	_ =	sdelay $0x4  }
0xf6: {  	v63 =	vshll.u32 v3, $0x4  }
0xf7: {  	v3 =	vand.u32 $0x7, v3;
	v4 =	vand.u32 $0xFFFFFF80, v63  }
0xf8: {  	v3 =	vor.u32 v3, v4  }
0xf9: {  	v4 =	vperm.xlane v3, v0;
	_ =	sdelay $0x1  }
0xfa: {  	v4 =	vadd.s32 v1, v4;
	_ =	sdelay $0x4  }
0xfb: {  	[tilespmem:s11], [sflag:$0x3] =	stream.indirect_vreg.gather [hbm4b:s1+s3], $0x80, v4, vm0, $0xb8;
	[tilespmem:$0x18200] =	vst v63  }
0xfc: {  	_ = 	snop  }
0xfd: {  	[tilespmem:s30], [sflag:$0x3] =	stream.indirect_vreg.gather [hbm4b:s5+s3], $0x80, v4, vm0, $0xb8;
	[tilespmem:$0x18200] =	vst v63  }
0xfe: {  	s17 =	simm.s32 $0x11200  }
0xff: {  	[tilespmem:s17], [sflag:$0x3] =	stream.indirect_vreg.gather [hbm4b:s6+s3], $0x80, v4, vm0, $0xb8;
	[tilespmem:$0x18200] =	vst v63  }
0x100: {  	_ = 	snop  }
0x101: {  	[tilespmem:s31], [sflag:$0x3] =	stream.indirect_vreg.gather [hbm4b:s7+s3], $0x80, v4, vm0, $0xb8;
	[tilespmem:$0x18200] =	vst v63  }
0x102: {  	_ = 	snop  }
0x103: {  	[tilespmem:s20], [sflag:$0x3] =	stream.indirect_vreg.gather [hbm4b:s8+s3], $0x80, v4, vm0, $0xb8;
	[tilespmem:$0x18200] =	vst v63  }
0x104: {  	v3 =	vperm.xlane v3, v2  }
0x105: {  	[tilespmem:s21], [sflag:$0x3] =	stream.indirect_vreg.gather [hbm4b:s9+s3], $0x80, v4, vm0, $0xb8;
	[tilespmem:$0x18200] =	vst v63  }
0x106: {  	v3 =	vadd.s32 v1, v3  }
0x107: {  	[tilespmem:s2], [sflag:$0x3] =	stream.indirect_vreg.gather [hbm4b:s10+s3], $0x80, v4, vm0, $0xb8;
	[tilespmem:$0x18200] =	vst v63  }
0x108: {  	_ = 	snop  }
0x109: {  	[tilespmem:s22], [sflag:$0x3] =	stream.indirect_vreg.gather [hbm4b:s12+s3], $0x80, v4, vm0, $0xb8;
	[tilespmem:$0x18200] =	vst v63  }
0x10a: {  	_ = 	snop  }
0x10b: {  	[tilespmem:s18], [sflag:$0x3] =	stream.indirect_vreg.gather [hbm4b:s1+s3], $0x80, v3, vm0, $0xb8;
	[tilespmem:$0x18200] =	vst v63  }
0x10c: {  	_ = 	snop  }
0x10d: {  	[tilespmem:s23], [sflag:$0x3] =	stream.indirect_vreg.gather [hbm4b:s5+s3], $0x80, v3, vm0, $0xb8;
	[tilespmem:$0x18200] =	vst v63  }
0x10e: {  	_ = 	snop  }
0x10f: {  	[tilespmem:s4], [sflag:$0x3] =	stream.indirect_vreg.gather [hbm4b:s6+s3], $0x80, v3, vm0, $0xb8;
	[tilespmem:$0x18200] =	vst v63  }
0x110: {  	_ = 	snop  }
0x111: {  	[tilespmem:s19], [sflag:$0x3] =	stream.indirect_vreg.gather [hbm4b:s7+s3], $0x80, v3, vm0, $0xb8;
	[tilespmem:$0x18200] =	vst v63  }
0x112: {  	s17 =	simm.s32 $0x16200  }
0x113: {  	[tilespmem:s17], [sflag:$0x3] =	stream.indirect_vreg.gather [hbm4b:s8+s3], $0x80, v3, vm0, $0xb8;
	[tilespmem:$0x18200] =	vst v63  }
0x114: {  	s17 =	simm.s32 $0x16A00  }
0x115: {  	[tilespmem:s17], [sflag:$0x3] =	stream.indirect_vreg.gather [hbm4b:s9+s3], $0x80, v3, vm0, $0xb8;
	[tilespmem:$0x18200] =	vst v63  }
0x116: {  	s17 =	simm.s32 $0x17200  }
0x117: {  	[tilespmem:s17], [sflag:$0x3] =	stream.indirect_vreg.gather [hbm4b:s10+s3], $0x80, v3, vm0, $0xb8;
	[tilespmem:$0x18200] =	vst v63  }
0x118: {  	p0 =	sne.s32 s29, $0x18000;
	s17 =	simm.s32 $0x17A00  }
0x119: {  	[tilespmem:s17], [sflag:$0x3] =	stream.indirect_vreg.gather [hbm4b:s12+s3], $0x80, v3, vm0, $0xb8;
	[tilespmem:$0x18200] =	vst v63  }
.Ltmp0:
0x11a: {  	_ = 	snop;
	(pc) =	sbr.rel @p0 .LBB2_2-.Ltmp0, $4  }
0x11b: {  	s0 =	simm.s32 $0x10200;
	_ =	swait.ge [sflag:s24], $0x8000  }
0x11c: {  	s16 =	sadd.s32 $0x30, s16;
	s11 =	rddreg [dreg:$0x4];
	[sflag:s24] =	ssyncset.done $0x0  }
0x11d: {  	[sflag:s24] =	ssyncadd.s32 $0xFFFF8000;
	s17 =	sadd.s32 s29, s11;
	s29 =	sadd.s32 $0x3000, s29  }
0x11e: {  	[hbm4b:s17+s3] =	stream.linear.scatter [tilespmem:s14], [sflag:$0x4], $0x8000, $0x38;
	[tilespmem:$0x18200] =	vst v63  }
0x11f: {  	_ =	swait.ge [sflag:s25], $0x8000  }
0x120: {  	[sflag:s25] =	ssyncset.done $0x0  }
0x121: {  	[sflag:s25] =	ssyncadd.s32 $0xFFFF8000  }
0x122: {  	v3 =	vld [tilespmem:$0x1E0];
	_ =	sdelay $0x4  }
0x123: {  	v4 =	vshll.u32 v3, $0x4  }
0x124: {  	v3 =	vand.u32 $0x7, v3;
	v4 =	vand.u32 $0xFFFFFF80, v4  }
0x125: {  	v3 =	vor.u32 v3, v4  }
0x126: {  	v4 =	vperm.xlane v3, v0;
	_ =	sdelay $0x1  }
0x127: {  	v4 =	vadd.s32 v1, v4;
	_ =	sdelay $0x3  }
0x128: {  	s2 =	simm.s32 $0x200  }
0x129: {  	[tilespmem:s2], [sflag:$0x1] =	stream.indirect_vreg.gather [hbm4b:s1+s3], $0x80, v4, vm0, $0xb8;
	[tilespmem:$0x18200] =	vst v63  }
0x12a: {  	s16 =	simm.s32 $0xA00  }
0x12b: {  	[tilespmem:s16], [sflag:$0x1] =	stream.indirect_vreg.gather [hbm4b:s5+s3], $0x80, v4, vm0, $0xb8;
	[tilespmem:$0x18200] =	vst v63  }
0x12c: {  	s19 =	simm.s32 $0x1200  }
0x12d: {  	[tilespmem:s19], [sflag:$0x1] =	stream.indirect_vreg.gather [hbm4b:s6+s3], $0x80, v4, vm0, $0xb8;
	[tilespmem:$0x18200] =	vst v63  }
0x12e: {  	s20 =	simm.s32 $0x1A00  }
0x12f: {  	[tilespmem:s20], [sflag:$0x1] =	stream.indirect_vreg.gather [hbm4b:s7+s3], $0x80, v4, vm0, $0xb8;
	[tilespmem:$0x18200] =	vst v63  }
0x130: {  	s21 =	simm.s32 $0x2200  }
0x131: {  	[tilespmem:s21], [sflag:$0x1] =	stream.indirect_vreg.gather [hbm4b:s8+s3], $0x80, v4, vm0, $0xb8;
	[tilespmem:$0x18200] =	vst v63  }
0x132: {  	s22 =	simm.s32 $0x2A00;
	v3 =	vperm.xlane v3, v2  }
0x133: {  	[tilespmem:s22], [sflag:$0x1] =	stream.indirect_vreg.gather [hbm4b:s9+s3], $0x80, v4, vm0, $0xb8;
	[tilespmem:$0x18200] =	vst v63  }
0x134: {  	s23 =	simm.s32 $0x3200;
	v3 =	vadd.s32 v1, v3  }
0x135: {  	[tilespmem:s23], [sflag:$0x1] =	stream.indirect_vreg.gather [hbm4b:s10+s3], $0x80, v4, vm0, $0xb8;
	[tilespmem:$0x18200] =	vst v63  }
0x136: {  	s4 =	simm.s32 $0x3A00  }
0x137: {  	[tilespmem:s4], [sflag:$0x1] =	stream.indirect_vreg.gather [hbm4b:s12+s3], $0x80, v4, vm0, $0xb8;
	[tilespmem:$0x18200] =	vst v63  }
0x138: {  	s11 =	simm.s32 $0x4200  }
0x139: {  	[tilespmem:s11], [sflag:$0x1] =	stream.indirect_vreg.gather [hbm4b:s1+s3], $0x80, v3, vm0, $0xb8;
	[tilespmem:$0x18200] =	vst v63  }
0x13a: {  	s14 =	simm.s32 $0x4A00  }
0x13b: {  	[tilespmem:s14], [sflag:$0x1] =	stream.indirect_vreg.gather [hbm4b:s5+s3], $0x80, v3, vm0, $0xb8;
	[tilespmem:$0x18200] =	vst v63  }
0x13c: {  	s17 =	simm.s32 $0x5200  }
0x13d: {  	[tilespmem:s17], [sflag:$0x1] =	stream.indirect_vreg.gather [hbm4b:s6+s3], $0x80, v3, vm0, $0xb8;
	[tilespmem:$0x18200] =	vst v63  }
0x13e: {  	s18 =	simm.s32 $0x5A00  }
0x13f: {  	[tilespmem:s18], [sflag:$0x1] =	stream.indirect_vreg.gather [hbm4b:s7+s3], $0x80, v3, vm0, $0xb8;
	[tilespmem:$0x18200] =	vst v63  }
0x140: {  	s19 =	simm.s32 $0x6200  }
0x141: {  	[tilespmem:s19], [sflag:$0x1] =	stream.indirect_vreg.gather [hbm4b:s8+s3], $0x80, v3, vm0, $0xb8;
	[tilespmem:$0x18200] =	vst v63  }
0x142: {  	s20 =	simm.s32 $0x6A00  }
0x143: {  	[tilespmem:s20], [sflag:$0x1] =	stream.indirect_vreg.gather [hbm4b:s9+s3], $0x80, v3, vm0, $0xb8;
	[tilespmem:$0x18200] =	vst v63  }
0x144: {  	s21 =	simm.s32 $0x7200  }
0x145: {  	[tilespmem:s21], [sflag:$0x1] =	stream.indirect_vreg.gather [hbm4b:s10+s3], $0x80, v3, vm0, $0xb8;
	[tilespmem:$0x18200] =	vst v63  }
0x146: {  	s22 =	simm.s32 $0x7A00  }
0x147: {  	[tilespmem:s22], [sflag:$0x1] =	stream.indirect_vreg.gather [hbm4b:s12+s3], $0x80, v3, vm0, $0xb8;
	[tilespmem:$0x18200] =	vst v63  }
0x148: {  	_ =	swait.ge [sflag:s13], $0x8000  }
0x149: {  	[sflag:s13] =	ssyncset.done $0x0  }
0x14a: {  	s4 =	simm.s32 $0x8200;
	s23 =	rddreg [dreg:$0x9];
	[sflag:s13] =	ssyncadd.s32 $0xFFFF8000  }
0x14b: {  	[hbm4b:s23+s3] =	stream.linear.scatter [tilespmem:s4], [sflag:$0x5], $0x8000, $0x38;
	[tilespmem:$0x18200] =	vst v63  }
0x14c: {  	_ =	swait.ge [sflag:s26], $0x8000  }
0x14d: {  	[sflag:s26] =	ssyncset.done $0x0  }
0x14e: {  	[sflag:s26] =	ssyncadd.s32 $0xFFFF8000  }
0x14f: {  	v3 =	vld [tilespmem:$0x1F0];
	_ =	sdelay $0x4  }
0x150: {  	v63 =	vshll.u32 v3, $0x4  }
0x151: {  	v3 =	vand.u32 $0x7, v3;
	v4 =	vand.u32 $0xFFFFFF80, v63  }
0x152: {  	v3 =	vor.u32 v3, v4  }
0x153: {  	v4 =	vperm.xlane v3, v0;
	_ =	sdelay $0x1  }
0x154: {  	v4 =	vadd.s32 v1, v4;
	_ =	sdelay $0x4  }
0x155: {  	[tilespmem:s4], [sflag:$0x2] =	stream.indirect_vreg.gather [hbm4b:s1+s3], $0x80, v4, vm0, $0xb8;
	[tilespmem:$0x18200] =	vst v63  }
0x156: {  	s11 =	simm.s32 $0x8A00  }
0x157: {  	[tilespmem:s11], [sflag:$0x2] =	stream.indirect_vreg.gather [hbm4b:s5+s3], $0x80, v4, vm0, $0xb8;
	[tilespmem:$0x18200] =	vst v63  }
0x158: {  	s14 =	simm.s32 $0x9200  }
0x159: {  	[tilespmem:s14], [sflag:$0x2] =	stream.indirect_vreg.gather [hbm4b:s6+s3], $0x80, v4, vm0, $0xb8;
	[tilespmem:$0x18200] =	vst v63  }
0x15a: {  	s17 =	simm.s32 $0x9A00  }
0x15b: {  	[tilespmem:s17], [sflag:$0x2] =	stream.indirect_vreg.gather [hbm4b:s7+s3], $0x80, v4, vm0, $0xb8;
	[tilespmem:$0x18200] =	vst v63  }
0x15c: {  	s18 =	simm.s32 $0xA200  }
0x15d: {  	[tilespmem:s18], [sflag:$0x2] =	stream.indirect_vreg.gather [hbm4b:s8+s3], $0x80, v4, vm0, $0xb8;
	[tilespmem:$0x18200] =	vst v63  }
0x15e: {  	s19 =	simm.s32 $0xAA00;
	v3 =	vperm.xlane v3, v2  }
0x15f: {  	[tilespmem:s19], [sflag:$0x2] =	stream.indirect_vreg.gather [hbm4b:s9+s3], $0x80, v4, vm0, $0xb8;
	[tilespmem:$0x18200] =	vst v63  }
0x160: {  	s20 =	simm.s32 $0xB200;
	v3 =	vadd.s32 v1, v3  }
0x161: {  	[tilespmem:s20], [sflag:$0x2] =	stream.indirect_vreg.gather [hbm4b:s10+s3], $0x80, v4, vm0, $0xb8;
	[tilespmem:$0x18200] =	vst v63  }
0x162: {  	s21 =	simm.s32 $0xBA00  }
0x163: {  	[tilespmem:s21], [sflag:$0x2] =	stream.indirect_vreg.gather [hbm4b:s12+s3], $0x80, v4, vm0, $0xb8;
	[tilespmem:$0x18200] =	vst v63  }
0x164: {  	s22 =	simm.s32 $0xC200  }
0x165: {  	[tilespmem:s22], [sflag:$0x2] =	stream.indirect_vreg.gather [hbm4b:s1+s3], $0x80, v3, vm0, $0xb8;
	[tilespmem:$0x18200] =	vst v63  }
0x166: {  	s23 =	simm.s32 $0xCA00  }
0x167: {  	[tilespmem:s23], [sflag:$0x2] =	stream.indirect_vreg.gather [hbm4b:s5+s3], $0x80, v3, vm0, $0xb8;
	[tilespmem:$0x18200] =	vst v63  }
0x168: {  	s11 =	simm.s32 $0xD200  }
0x169: {  	[tilespmem:s11], [sflag:$0x2] =	stream.indirect_vreg.gather [hbm4b:s6+s3], $0x80, v3, vm0, $0xb8;
	[tilespmem:$0x18200] =	vst v63  }
0x16a: {  	s14 =	simm.s32 $0xDA00  }
0x16b: {  	[tilespmem:s14], [sflag:$0x2] =	stream.indirect_vreg.gather [hbm4b:s7+s3], $0x80, v3, vm0, $0xb8;
	[tilespmem:$0x18200] =	vst v63  }
0x16c: {  	s17 =	simm.s32 $0xE200  }
0x16d: {  	[tilespmem:s17], [sflag:$0x2] =	stream.indirect_vreg.gather [hbm4b:s8+s3], $0x80, v3, vm0, $0xb8;
	[tilespmem:$0x18200] =	vst v63  }
0x16e: {  	s18 =	simm.s32 $0xEA00  }
0x16f: {  	[tilespmem:s18], [sflag:$0x2] =	stream.indirect_vreg.gather [hbm4b:s9+s3], $0x80, v3, vm0, $0xb8;
	[tilespmem:$0x18200] =	vst v63  }
0x170: {  	s19 =	simm.s32 $0xF200  }
0x171: {  	[tilespmem:s19], [sflag:$0x2] =	stream.indirect_vreg.gather [hbm4b:s10+s3], $0x80, v3, vm0, $0xb8;
	[tilespmem:$0x18200] =	vst v63  }
0x172: {  	s11 =	simm.s32 $0xFA00  }
0x173: {  	[tilespmem:s11], [sflag:$0x2] =	stream.indirect_vreg.gather [hbm4b:s12+s3], $0x80, v3, vm0, $0xb8;
	[tilespmem:$0x18200] =	vst v63  }
0x174: {  	_ =	swait.ge [sflag:s15], $0x8000  }
0x175: {  	[sflag:s15] =	ssyncset.done $0x0  }
0x176: {  	s20 =	rddreg [dreg:$0xa];
	[sflag:s15] =	ssyncadd.s32 $0xFFFF8000  }
0x177: {  	[hbm4b:s20+s3] =	stream.linear.scatter [tilespmem:s0], [sflag:$0x6], $0x8000, $0x38;
	[tilespmem:$0x18200] =	vst v63  }
0x178: {  	_ =	swait.ge [sflag:s24], $0x8000  }
0x179: {  	[sflag:s24] =	ssyncset.done $0x0  }
0x17a: {  	s21 =	rddreg [dreg:$0xb];
	[sflag:s24] =	ssyncadd.s32 $0xFFFF8000  }
0x17b: {  	[hbm4b:s21+s3] =	stream.linear.scatter [tilespmem:s2], [sflag:$0x4], $0x8000, $0x38;
	[tilespmem:$0x18200] =	vst v63  }
0x17c: {  	_ =	swait.ge [sflag:s13], $0x8000  }
0x17d: {  	[sflag:s13] =	ssyncset.done $0x0  }
0x17e: {  	s22 =	rddreg [dreg:$0xc];
	[sflag:s13] =	ssyncadd.s32 $0xFFFF8000  }
0x17f: {  	[hbm4b:s22+s3] =	stream.linear.scatter [tilespmem:s4], [sflag:$0x5], $0x8000, $0x38;
	[tilespmem:$0x18200] =	vst v63  }
0x180: {  	_ =	swait.ge [sflag:s28], $0x8000  }
0x181: {  	[sflag:s28] =	ssyncset.done $0x0  }
0x182: {  	[sflag:s28] =	ssyncadd.s32 $0xFFFF8000  }
0x183: {  	_ =	swait.ge [sflag:s25], $0x8000  }
0x184: {  	[sflag:s25] =	ssyncset.done $0x0  }
0x185: {  	[sflag:s25] =	ssyncadd.s32 $0xFFFF8000  }
0x186: {  	_ =	swait.ge [sflag:s26], $0x8000  }
0x187: {  	s14 =	rddreg [dreg:$0xe]  }
0x188: {  	s23 =	rddreg [dreg:$0xd];
	s14 =	sadd.s32 $0x1, s14  }
0x189: {  	p0 =	sne.s32 s14, s23  }
.Ltmp1:
0x18a: {  	s31 =	simm.s32 $0x8200;
	s29 =	simm.s32 $0x10A00;
	(pc) =	sbr.rel @p0 .LBB2_1-.Ltmp1, $4  }
0x18b: {  	s30 =	simm.s32 $0x11A00;
	s18 =	simm.s32 $0x14200;
	s19 =	simm.s32 $0x15A00  }
0x18c: {  	s11 =	simm.s32 $0x11200;
	s20 =	simm.s32 $0x12200;
	s21 =	simm.s32 $0x12A00  }
0x18d: {  	s2 =	simm.s32 $0x13200;
	s22 =	simm.s32 $0x13A00;
	[sflag:s26] =	ssyncset.done $0x0  }
0x18e: {  	s4 =	simm.s32 $0x15200;
	[sflag:s26] =	ssyncadd.s32 $0xFFFF8000;
	s23 =	simm.s32 $0x14A00  }
0x18f: {  	_ =	sfence.sel $0x180000  }
0x190: {  	[bflag:$0x0] =	sbarrier.arrive $0xFFFF  }
0x191: {  	_ =	strace $0x90000047  }
0x192: {  	s0 =	stileid.u32;
	[bflag:$0x2] =	sbarrier.arrive $0xFFFF  }
0x193: {  	p0 =	sne.s32 s0, $0x0;
	s0 =	rddreg [dreg:$0x3]  }
0x194: {  	s0 =	sadd.s32 @!p0 $0x100000, s0  }
0x195: {  	[sflag:s0] =	ssyncadd.tile.s32 @!p0 $0x1;
	_ =	shalt  }
.Lfunc_end2:
_tile_overlayer_lowered:
.L_overlay_start_2:
0x196: {  	(tag) =	ssettag $0x2  }
0x197: {  	s0 =	rddreg [dreg:$0x0];
	s2 =	stileid.u32  }
0x198: {  	s1 =	rddreg [dreg:$0x1];
	p0 =	sne.s32 s2, $0x0  }
0x199: {  	s3 =	rddreg [dreg:$0x2];
	[bflag:$0x3] =	sbarrier.arrive $0xFFFF;
	s2 =	simm.s32 @!p0 $0x1C07  }
0x19a: {  	[timem:s3], [sflag:s2] =	dma.local @!p0 [hbm:s0], s1  }
0x19b: {  	s0 =	simm.s32 @!p0 $0x7  }
0x19c: {  	_ =	swait.ge @!p0 [sflag:s0], s1  }
0x19d: {  	s1 =	ssub.s32 @!p0 $0x0, s1;
	[sflag:s0] =	ssyncset.done @!p0 $0x0  }
0x19e: {  	[sflag:s0] =	ssyncadd.s32 @!p0 s1  }
0x19f: {  	[bflag:$0x3] =	sbarrier.arrive $0xFFFF  }
0x1a0: {  	_ =	shalt  }

</sc_bundles>
